<compile_context>
chip_gen: v7x
topology: tpu7x:2x2x1
jax: 0.10.2.dev20260603
libtpu: 0.0.44.dev20260713+nightly
codegen_flags: <defaults>
</compile_context>

<pallas_src>
import functools

import jax
import jax.numpy as jnp
import numpy as np
from jax import lax
from jax.experimental import pallas as pl
from jax.experimental.pallas import tpu as pltpu
from jax.experimental.pallas import tpu_sc as plsc

_D = 256
_NH = 8
_HD = 32
_HALF = 16
_FF = 1024
_NOFF = 9
_S_THETA = 100.0
_L_THETA = 10.0

_OFFS = np.stack(
    np.meshgrid(np.arange(-1, 2), np.arange(-1, 2), indexing="ij"), axis=-1
).reshape(-1, 2).astype(np.float32)


def _freq_tables():
  n_x, n_y = 6, 6
  n_l = _HALF - n_x - n_y
  h = np.arange(_NH, dtype=np.float32)[:, None]
  fx = _S_THETA ** (-(np.arange(n_x, dtype=np.float32)[None, :] + h / _NH) / n_x)
  fy = _S_THETA ** (-(np.arange(n_y, dtype=np.float32)[None, :] + h / _NH) / n_y)
  fl = _L_THETA ** (-(np.arange(n_l, dtype=np.float32)[None, :] + h / _NH) / n_l)
  a0 = np.concatenate([fx, np.zeros((_NH, n_y + n_l), np.float32)], axis=1)
  a1 = np.concatenate(
      [np.zeros((_NH, n_x), np.float32), fy, np.zeros((_NH, n_l), np.float32)],
      axis=1)
  al = np.concatenate([np.zeros((_NH, n_x + n_y), np.float32), fl], axis=1)

  def flat(a):
    return np.concatenate([a, a], axis=1).reshape(1, _NH * _HD)

  return flat(a0), flat(a1), flat(al)


_F0, _F1, _FLT = _freq_tables()
_MLO = np.tile(
    np.concatenate(
        [np.ones((_HALF,), np.float32), np.zeros((_HALF,), np.float32)]),
    _NH).reshape(1, _D)
_MHI = 1.0 - _MLO
_HMAT = np.zeros((_D, _NH), np.float32)
for _h in range(_NH):
  _HMAT[_h * _HD:(_h + 1) * _HD, _h] = 1.0
_HMAT_T = np.ascontiguousarray(_HMAT.T)


def _sc_gather(table, idx):
  rows, d = idx.shape[0], table.shape[1]
  gw = 128
  assert rows % gw == 0
  mesh = plsc.VectorSubcoreMesh(core_axis_name="core",
                                subcore_axis_name="subcore")
  idx2 = idx.reshape(1, rows)

  @functools.partial(
      pl.kernel,
      out_type=jax.ShapeDtypeStruct((rows, d), table.dtype),
      mesh=mesh,
  )
  def gather_kernel(x_hbm, i_hbm, o_hbm):
    def body(i_vmem, o_vmem):
      pltpu.sync_copy(x_hbm.at[i_vmem.at[0]], o_vmem)

    pltpu.emit_pipeline(
        body,
        grid=(rows // gw,),
        in_specs=[pl.BlockSpec((1, gw), index_map=lambda i: (0, i))],
        out_specs=[pl.BlockSpec((gw, d), index_map=lambda i: (i, 0))],
        core_axis_name=("core", "subcore"),
        dimension_semantics=(pltpu.PARALLEL,),
    )(i_hbm, o_hbm)

  return gather_kernel(table, idx2)


def _tc_body(bn, nk, ymax, xmax, x_ref, pos_ref, g_ref, cy_ref, cx_ref,
             lv_ref, f0_ref, f1_ref, flt_ref, qfl_ref, mlo_ref, mhi_ref,
             hm_ref, ht_ref, wq_ref, bq_ref, wk_ref, bk_ref, wv_ref, bv_ref,
             wo_ref, bo_ref, l1s_ref, l1b_ref, l2s_ref, l2b_ref, w1_ref,
             b1_ref, w2_ref, b2_ref, o_ref):
  f32 = jnp.float32
  bf16 = jnp.bfloat16
  x = x_ref[...]
  mu = jnp.mean(x, axis=1, keepdims=True)
  xc = x - mu
  var = jnp.mean(xc * xc, axis=1, keepdims=True)
  xn = xc * lax.rsqrt(var + 1e-5) * l1s_ref[...] + l1b_ref[...]

  mlo = mlo_ref[...]
  mhi = mhi_ref[...]
  f0 = f0_ref[...]
  f1 = f1_ref[...]
  flt = flt_ref[...]

  def sincos(ang):
    magic = 12582912.0
    u = ang * float(1.0 / np.pi)
    big = u + magic
    k = big - magic
    r = u - k
    t = r * float(np.pi)
    t2 = t * t
    sp = t * (1.0 + t2 * (-1.0 / 6.0 + t2 *
                          (1.0 / 120.0 + t2 *
                           (-1.0 / 5040.0 + t2 * (1.0 / 362880.0)))))
    cp = 1.0 + t2 * (-0.5 + t2 *
                     (1.0 / 24.0 + t2 *
                      (-1.0 / 720.0 + t2 *
                       (1.0 / 40320.0 + t2 * (-1.0 / 3628800.0)))))
    par = lax.bitcast_convert_type(big, jnp.int32) & 1
    sign = 1.0 - 2.0 * par.astype(jnp.float32)
    return sp * sign, cp * sign

  def rope(z, ang):
    s, c = sincos(ang)
    zsw = jnp.roll(z, _HALF, axis=1) * mhi - jnp.roll(z, -_HALF, axis=1) * mlo
    return z * c + zsw * s

  qy = pos_ref[:, 0:1]
  qx = pos_ref[:, 1:2]
  qp = jnp.dot(xn.astype(bf16), wq_ref[...],
               preferred_element_type=f32) + bq_ref[...]
  qr = rope(qp, qy * f0 + qx * f1 + qfl_ref[...])

  hm = hm_ref[...]
  ht = ht_ref[...]
  inv_sqrt_hd = float(1.0 / np.sqrt(_HD))

  fb2 = g_ref[...].reshape(nk * bn, _D).astype(bf16)
  kl2 = jnp.dot(fb2, wk_ref[...], preferred_element_type=f32) + bk_ref[...]
  vv2 = jnp.dot(fb2, wv_ref[...], preferred_element_type=f32) + bv_ref[...]

  cy3 = cy_ref[...].reshape(nk, 1, 1)
  cx3 = cx_ref[...].reshape(nk, 1, 1)
  lv3 = lv_ref[...].reshape(nk, 1, 1)
  qyf3 = jnp.floor(qy)[None, :, :]
  qxf3 = jnp.floor(qx)[None, :, :]
  ky3 = jnp.clip(qyf3 + cy3, 0.0, ymax)
  kx3 = jnp.clip(qxf3 + cx3, 0.0, xmax)
  ang3 = (ky3 * f0[None] + kx3 * f1[None] + lv3 * flt[None])
  kr2 = rope(kl2, ang3.reshape(nk * bn, _D))

  prod3 = qr[None, :, :] * kr2.reshape(nk, bn, _D)
  sc2 = jnp.dot(prod3.reshape(nk * bn, _D), hm,
                preferred_element_type=f32) * inv_sqrt_hd
  sc3 = sc2.reshape(nk, bn, _NH)
  mx = jnp.max(sc3, axis=0)
  e3 = jnp.exp(sc3 - mx[None])
  ssum = jnp.sum(e3, axis=0)
  attnw3 = e3 * (1.0 / ssum)[None]
  attne2 = jnp.dot(attnw3.reshape(nk * bn, _NH), ht,
                   preferred_element_type=f32)
  weighted3 = attne2.reshape(nk, bn, _D) * vv2.reshape(nk, bn, _D)
  attn = jnp.sum(weighted3, axis=0)

  x2 = x_ref[...] + jnp.dot(attn.astype(bf16), wo_ref[...],
                            preferred_element_type=f32) + bo_ref[...]
  mu2 = jnp.mean(x2, axis=1, keepdims=True)
  xc2 = x2 - mu2
  var2 = jnp.mean(xc2 * xc2, axis=1, keepdims=True)
  xn2 = xc2 * lax.rsqrt(var2 + 1e-5) * l2s_ref[...] + l2b_ref[...]
  hdn = jax.nn.gelu(
      jnp.dot(xn2.astype(bf16), w1_ref[...], preferred_element_type=f32) +
      b1_ref[...])
  o_ref[...] = x2 + jnp.dot(hdn.astype(bf16), w2_ref[...],
                            preferred_element_type=f32) + b2_ref[...]


def _fused(x, pos, g3, cy, cx, lv, qfl, wq, bq2, wk, bk2, wv, bv2, wo, bo2,
           l1s, l1b, l2s, l2b, w1, b12, w2, b22, ymax, xmax, nk):
  n = x.shape[0]
  bn = 128
  grid = (n // bn,)
  f32 = jnp.float32

  consts = dict(
      f0=jnp.asarray(_F0), f1=jnp.asarray(_F1), flt=jnp.asarray(_FLT),
      mlo=jnp.asarray(_MLO), mhi=jnp.asarray(_MHI), hmat=jnp.asarray(_HMAT),
      hmat_t=jnp.asarray(_HMAT_T))

  def full_spec(shape):
    nd = len(shape)
    return pl.BlockSpec(shape, lambda i, _nd=nd: (0,) * _nd)

  in_specs = [
      pl.BlockSpec((bn, _D), lambda i: (i, 0)),
      pl.BlockSpec((bn, 2), lambda i: (i, 0)),
      pl.BlockSpec((nk, bn, _D), lambda i: (0, i, 0)),
      full_spec((nk, 1)),
      full_spec((nk, 1)),
      full_spec((nk, 1)),
      full_spec((1, _D)),
      full_spec((1, _D)),
      full_spec((1, _D)),
      full_spec((1, _D)),
      full_spec((1, _D)),
      full_spec((1, _D)),
      full_spec((_D, _NH)),
      full_spec((_NH, _D)),
      full_spec((_D, _D)),
      full_spec((1, _D)),
      full_spec((_D, _D)),
      full_spec((1, _D)),
      full_spec((_D, _D)),
      full_spec((1, _D)),
      full_spec((_D, _D)),
      full_spec((1, _D)),
      full_spec((1, _D)),
      full_spec((1, _D)),
      full_spec((1, _D)),
      full_spec((1, _D)),
      full_spec((_D, _FF)),
      full_spec((1, _FF)),
      full_spec((_FF, _D)),
      full_spec((1, _D)),
  ]

  body = functools.partial(_tc_body, bn, nk, ymax, xmax)
  return pl.pallas_call(
      body,
      grid=grid,
      in_specs=in_specs,
      out_specs=pl.BlockSpec((bn, _D), lambda i: (i, 0)),
      out_shape=jax.ShapeDtypeStruct((n, _D), f32),
      compiler_params=pltpu.CompilerParams(
          dimension_semantics=("arbitrary",)),
  )(x, pos, g3, cy, cx, lv, consts["f0"], consts["f1"], consts["flt"], qfl,
    consts["mlo"], consts["mhi"], consts["hmat"], consts["hmat_t"], wq, bq2,
    wk, bk2, wv, bv2, wo, bo2, l1s, l1b, l2s, l2b, w1, b12, w2, b22)


def kernel(queries, query_batch_offsets, query_positions, stacked_feature_map,
           level_spatial_shapes, Wq, bq, Wk, bk, Wv, bv, Wo, bo, ln1_s, ln1_b,
           ln2_s, ln2_b, W1, b1, W2, b2):
  b, hm, wm, nl, d = stacked_feature_map.shape
  n = queries.shape[0]
  nk = nl * _NOFF

  lss_f = level_spatial_shapes.astype(jnp.float32)
  max_lvl = jnp.argmax(level_spatial_shapes, axis=0)[0]
  strides = lss_f[max_lvl][None, :] / lss_f
  nq_idx = jnp.arange(n, dtype=query_batch_offsets.dtype)
  batch_idx = jnp.clip(
      jnp.searchsorted(query_batch_offsets, nq_idx, side="right") - 1, 0,
      b - 1).astype(jnp.int32)
  offs = jnp.asarray(_OFFS)
  center = jnp.floor(query_positions)
  cells = (center[:, None, None, :] +
           offs[None, None, :, :] * strides[None, :, None, :])
  yi = jnp.clip(cells[..., 0].astype(jnp.int32), 0, hm - 1)
  xi = jnp.clip(cells[..., 1].astype(jnp.int32), 0, wm - 1)
  lvl = jnp.broadcast_to(
      jnp.arange(nl, dtype=jnp.int32)[None, :, None], (n, nl, _NOFF))
  flat = ((batch_idx[:, None, None] * hm + yi) * wm + xi) * nl + lvl
  flat2 = flat.reshape(n, nk)

  table = stacked_feature_map.reshape(b * hm * wm * nl, d)

  cy = (strides[:, 0:1] * offs[:, 0][None, :]).reshape(nk, 1)
  cx = (strides[:, 1:2] * offs[:, 1][None, :]).reshape(nk, 1)
  lv = jnp.asarray(
      np.repeat(np.arange(nl), _NOFF).astype(np.float32).reshape(nk, 1))
  qfl = max_lvl.astype(jnp.float32) * jnp.asarray(_FLT)

  bf16 = jnp.bfloat16
  wargs = (
      Wq.astype(bf16), bq.reshape(1, -1),
      Wk.astype(bf16), bk.reshape(1, -1),
      Wv.astype(bf16), bv.reshape(1, -1),
      Wo.astype(bf16), bo.reshape(1, -1),
      ln1_s.reshape(1, -1), ln1_b.reshape(1, -1),
      ln2_s.reshape(1, -1), ln2_b.reshape(1, -1),
      W1.astype(bf16), b1.reshape(1, -1),
      W2.astype(bf16), b2.reshape(1, -1),
  )

  nchunks = 2 if n % (2 * 128) == 0 else 1
  nc = n // nchunks
  outs = []
  for c in range(nchunks):
    idxc = flat2[c * nc:(c + 1) * nc].T.reshape(-1)
    gc = _sc_gather(table, idxc).reshape(nk, nc, d)
    outs.append(
        _fused(queries[c * nc:(c + 1) * nc],
               query_positions[c * nc:(c + 1) * nc], gc, cy, cx, lv, qfl,
               *wargs, float(hm - 1), float(wm - 1), nk))
  return jnp.concatenate(outs, axis=0) if nchunks > 1 else outs[0]

# --- scband reference (transcript-rebuilt; emitter-appended) ---
"""Pipeline reference for scband-segmentation-map-layer-9680856285723 (READ-ONLY COPY).

The authoritative reference and input builder live on the scoring server;
editing this copy changes nothing except your own understanding.
"""

import jax, jax.numpy as jnp
import numpy as np

D_MODEL = 256
N_HEADS = 8
HEAD_DIM = D_MODEL // N_HEADS
DIM_FF = 1024
N_LEVELS = 4
SPATIAL_THETA = 100.0
LEVEL_THETA = 10.0


def layer_norm(x, scale, bias, eps=1e-5):
    mu = jnp.mean(x, axis=-1, keepdims=True)
    var = jnp.var(x, axis=-1, keepdims=True)
    return (x - mu) / jnp.sqrt(var + eps) * scale + bias


def rope_angles(pos, level):
    half = HEAD_DIM // 2
    n_x = 6
    n_y = 6
    n_l = half - n_x - n_y
    h = jnp.arange(N_HEADS, dtype=jnp.float32)[:, None]
    fx = SPATIAL_THETA ** (-(jnp.arange(n_x, dtype=jnp.float32)[None, :] + h / N_HEADS) / n_x)
    fy = SPATIAL_THETA ** (-(jnp.arange(n_y, dtype=jnp.float32)[None, :] + h / N_HEADS) / n_y)
    fl = LEVEL_THETA ** (-(jnp.arange(n_l, dtype=jnp.float32)[None, :] + h / N_HEADS) / n_l)
    ax = pos[..., None, 0:1] * fx
    ay = pos[..., None, 1:2] * fy
    al = level[..., None, None] * fl
    return jnp.concatenate([ax, ay, al], axis=-1)


def apply_rope(x, ang):
    x1, x2 = jnp.split(x, 2, axis=-1)
    c = jnp.cos(ang)
    s = jnp.sin(ang)
    return jnp.concatenate([x1 * c - x2 * s, x1 * s + x2 * c], axis=-1)


def setup_inputs(seed: int = 0):
    key = jax.random.key(seed)
    ks = jax.random.split(key, 12)
    B = 2
    NQ = 2048
    N = B * NQ
    Hm = 128
    Wm = 128
    queries = jax.random.normal(ks[0], (N, D_MODEL), jnp.float32)
    query_batch_offsets = jnp.array([0, NQ, N], dtype=jnp.int32)
    query_positions = jax.random.uniform(ks[1], (N, 2), jnp.float32) * (Hm - 1)
    stacked_feature_map = 0.02 * jax.random.normal(ks[2], (B, Hm, Wm, N_LEVELS, D_MODEL), jnp.float32)
    level_spatial_shapes = jnp.array([[128, 128], [64, 64], [32, 32], [16, 16]], dtype=jnp.int32)
    sd = 1.0 / np.sqrt(D_MODEL)
    Wq = sd * jax.random.normal(ks[3], (D_MODEL, D_MODEL), jnp.float32)
    Wk = sd * jax.random.normal(ks[4], (D_MODEL, D_MODEL), jnp.float32)
    Wv = sd * jax.random.normal(ks[5], (D_MODEL, D_MODEL), jnp.float32)
    Wo = sd * jax.random.normal(ks[6], (D_MODEL, D_MODEL), jnp.float32)
    W1 = sd * jax.random.normal(ks[7], (D_MODEL, DIM_FF), jnp.float32)
    W2 = (1.0 / np.sqrt(DIM_FF)) * jax.random.normal(ks[8], (DIM_FF, D_MODEL), jnp.float32)
    z = lambda n: jnp.zeros((n,), jnp.float32)
    o = lambda n: jnp.ones((n,), jnp.float32)
    return {"queries": queries, "query_batch_offsets": query_batch_offsets, "query_positions": query_positions, "stacked_feature_map": stacked_feature_map, "level_spatial_shapes": level_spatial_shapes, "Wq": Wq, "bq": z(D_MODEL), "Wk": Wk, "bk": z(D_MODEL), "Wv": Wv, "bv": z(D_MODEL), "Wo": Wo, "bo": z(D_MODEL), "ln1_s": o(D_MODEL), "ln1_b": z(D_MODEL), "ln2_s": o(D_MODEL), "ln2_b": z(D_MODEL), "W1": W1, "b1": z(DIM_FF), "W2": W2, "b2": z(D_MODEL)}


def reference(queries, query_batch_offsets, query_positions, stacked_feature_map, level_spatial_shapes, Wq, bq, Wk, bk, Wv, bv, Wo, bo, ln1_s, ln1_b, ln2_s, ln2_b, W1, b1, W2, b2):
    B, Hm, Wm, L, D = stacked_feature_map.shape
    N = queries.shape[0]
    max_level_index = jnp.argmax(level_spatial_shapes, axis=0)
    max_lvl = max_level_index[0]
    query_level = jnp.broadcast_to(max_lvl.astype(jnp.float32), (N,))
    x = queries
    xn = layer_norm(x, ln1_s, ln1_b)
    q = (xn @ Wq + bq).reshape(N, N_HEADS, HEAD_DIM)
    batch_idx = jnp.clip(jnp.searchsorted(query_batch_offsets, jnp.arange(N, dtype=query_batch_offsets.dtype), side='right') - 1, 0, B - 1)
    offs = jnp.stack(jnp.meshgrid(jnp.arange(-1, 2), jnp.arange(-1, 2), indexing='ij'), axis=-1).reshape(-1, 2).astype(jnp.float32)
    n_off = offs.shape[0]
    strides = level_spatial_shapes[max_lvl].astype(jnp.float32)[None, :] / level_spatial_shapes.astype(jnp.float32)
    center = jnp.floor(query_positions)
    cells = center[:, None, None, :] + offs[None, None, :, :] * strides[None, :, None, :]
    yi = jnp.clip(cells[..., 0].astype(jnp.int32), 0, Hm - 1)
    xi = jnp.clip(cells[..., 1].astype(jnp.int32), 0, Wm - 1)
    lvl = jnp.broadcast_to(jnp.arange(L, dtype=jnp.int32)[None, :, None], (N, L, n_off))
    feat = stacked_feature_map[batch_idx[:, None, None], yi, xi, lvl]
    K = L * n_off
    feat = feat.reshape(N, K, D)
    k = (feat @ Wk + bk).reshape(N, K, N_HEADS, HEAD_DIM)
    v = (feat @ Wv + bv).reshape(N, K, N_HEADS, HEAD_DIM)
    q_ang = rope_angles(query_positions, query_level)
    key_pos = jnp.stack([jnp.clip(cells[..., 0], 0, Hm - 1), jnp.clip(cells[..., 1], 0, Wm - 1)], axis=-1).reshape(N, K, 2)
    key_lvl = lvl.reshape(N, K).astype(jnp.float32)
    k_ang = rope_angles(key_pos, key_lvl)
    q = apply_rope(q, q_ang)
    k = apply_rope(k, k_ang)
    scores = jnp.einsum('nhd,nkhd->nhk', q, k) / jnp.sqrt(float(HEAD_DIM))
    attn = jax.nn.softmax(scores, axis=-1)
    out = jnp.einsum('nhk,nkhd->nhd', attn, v).reshape(N, D)
    x = x + out @ Wo + bo
    xn = layer_norm(x, ln2_s, ln2_b)
    x = x + jax.nn.gelu(xn @ W1 + b1) @ W2 + b2
    return x

if __name__ == "__main__":
    import jax
    _d = setup_inputs()
    print(jax.jit(kernel)(*tuple(_d.values())))

</pallas_src>

<mosaic_0001>
#map = affine_map<(d0, d1) -> (0, 0)>
module attributes {stable_mosaic.version = 14 : i64} {
  func.func @gather_kernel(%arg0: i32, %arg1: i32, %arg2: memref<131072x256xf32, #tpu.memory_space<hbm>>, %arg3: memref<1x73728xi32, #tpu.memory_space<hbm>>, %arg4: memref<73728x256xf32, #tpu.memory_space<hbm>>) attributes {dimension_semantics = [#tpu.dimension_semantics<core_parallel>, #tpu.dimension_semantics<subcore_parallel>], iteration_bounds = array<i64: 2, 16>, scalar_prefetch = 0 : i64, scratch_operands = 0 : i64, tpu.core_type = #tpu.core_type<sc_vector_subcore>, window_params = [{transform_indices = #map}, {transform_indices = #map}, {transform_indices = #map}]} {
    %mul3A = arith.constant 1 : i32
    %mul3A_0 = arith.muli %arg1, %mul3A : i32
    %add3A = arith.constant 0 : i32
    %add3A_1 = arith.addi %add3A, %mul3A_0 : i32
    %mul3A_2 = arith.constant 16 : i32
    %mul3A_3 = arith.muli %arg0, %mul3A_2 : i32
    %add3A_4 = arith.addi %add3A_1, %mul3A_3 : i32
    %mul3A_5 = arith.constant 18 : i32
    %mul3A_6 = arith.muli %add3A_4, %mul3A_5 : i32
    "tpu.region"() ({
      %run_scoped3A = memref.alloca() : memref<2x1x128xi32, #tpu.memory_space<vmem>>
      %run_scoped3A_7 = tpu.sem_alloc : memref<2x!tpu.dma_semaphore, #tpu.memory_space<semaphore_mem>>
      %run_scoped3A_8 = memref.alloca() : memref<2x128x256xf32, #tpu.memory_space<vmem>>
      %run_scoped3A_9 = tpu.sem_alloc : memref<2x!tpu.dma_semaphore, #tpu.memory_space<semaphore_mem>>
      %add3A_10 = arith.constant 0 : i32
      %add3A_11 = arith.addi %add3A_10, %mul3A_6 : i32
      %select_n3A = arith.constant true
      %select_n3A_12 = arith.constant 0 : i32
      %select_n3A_13 = arith.constant -1 : i32
      %select_n3A_14 = arith.select %select_n3A, %select_n3A_13, %select_n3A_12 : i32
      %eq3A = arith.constant -1 : i32
      %eq3A_15 = arith.cmpi eq, %select_n3A_14, %eq3A : i32
      %select_n3A_16 = arith.constant 17 : i32
      %select_n3A_17 = arith.select %eq3A_15, %select_n3A_16, %select_n3A_14 : i32
      %add3A_18 = arith.addi %select_n3A_17, %mul3A_6 : i32
      %select_n3A_19 = arith.constant true
      %select_n3A_20 = arith.constant 0 : i32
      %select_n3A_21 = arith.constant 1 : i32
      %select_n3A_22 = arith.select %select_n3A_19, %select_n3A_21, %select_n3A_20 : i32
      %eq3A_23 = arith.constant 18 : i32
      %eq3A_24 = arith.cmpi eq, %select_n3A_22, %eq3A_23 : i32
      %select_n3A_25 = arith.constant 0 : i32
      %select_n3A_26 = arith.select %eq3A_24, %select_n3A_25, %select_n3A_22 : i32
      %add3A_27 = arith.addi %select_n3A_26, %mul3A_6 : i32
      %add3A_28 = arith.constant 1 : i32
      %add3A_29 = arith.addi %select_n3A_26, %add3A_28 : i32
      %select_n3A_30 = arith.constant true
      %select_n3A_31 = arith.select %select_n3A_30, %add3A_29, %select_n3A_26 : i32
      %eq3A_32 = arith.constant 18 : i32
      %eq3A_33 = arith.cmpi eq, %select_n3A_31, %eq3A_32 : i32
      %select_n3A_34 = arith.constant 0 : i32
      %select_n3A_35 = arith.select %eq3A_33, %select_n3A_34, %select_n3A_31 : i32
      %add3A_36 = arith.addi %select_n3A_35, %mul3A_6 : i32
      "tpu.trace_start"() <{level = 10 : i32, message = "ep_initialize_0"}> : () -> ()
      %rem3A = arith.constant 0 : i32
      %rem3A_37 = arith.constant 2 : i32
      %rem3A_38 = arith.remui %rem3A, %rem3A_37 : i32
      %mul3A_39 = arith.constant 128 : i32
      %mul3A_40 = arith.muli %mul3A_39, %add3A_11 : i32
      %dma_start3A = arith.constant 0 : i32
      %dma_start3A_41 = arith.constant 0 : i32
      %dma_start3A_42 = tpu.memref_slice %run_scoped3A[%rem3A_38, %dma_start3A, %dma_start3A_41] : memref<2x1x128xi32, #tpu.memory_space<vmem>> -> memref<1x1x128xi32, #tpu.memory_space<vmem>>
      %dma_start3A_43 = tpu.memref_squeeze %dma_start3A_42 : memref<1x1x128xi32, #tpu.memory_space<vmem>> -> memref<1x128xi32, #tpu.memory_space<vmem>>
      %dma_start3A_44 = arith.constant 0 : i32
      %dma_start3A_45 = tpu.memref_slice %arg3[%dma_start3A_44, %mul3A_40] : memref<1x73728xi32, #tpu.memory_space<hbm>> -> memref<1x128xi32, #tpu.memory_space<hbm>>
      %dma_start3A_46 = tpu.memref_slice %run_scoped3A_7[%rem3A_38] : memref<2x!tpu.dma_semaphore, #tpu.memory_space<semaphore_mem>> -> memref<1x!tpu.dma_semaphore, #tpu.memory_space<semaphore_mem>>
      %dma_start3A_47 = tpu.memref_squeeze %dma_start3A_46 : memref<1x!tpu.dma_semaphore, #tpu.memory_space<semaphore_mem>> -> memref<!tpu.dma_semaphore, #tpu.memory_space<semaphore_mem>>
      %dma_start3A_48 = arith.constant 0 : i32
      %dma_start3A_49 = arith.constant 0 : i32
      %dma_start3A_50 = tpu.memref_slice %run_scoped3A[%rem3A_38, %dma_start3A_48, %dma_start3A_49] : memref<2x1x128xi32, #tpu.memory_space<vmem>> -> memref<1x1x128xi32, #tpu.memory_space<vmem>>
      %dma_start3A_51 = tpu.memref_squeeze %dma_start3A_50 : memref<1x1x128xi32, #tpu.memory_space<vmem>> -> memref<1x128xi32, #tpu.memory_space<vmem>>
      %dma_start3A_52 = arith.constant 0 : i32
      %dma_start3A_53 = tpu.memref_slice %arg3[%dma_start3A_52, %mul3A_40] : memref<1x73728xi32, #tpu.memory_space<hbm>> -> memref<1x128xi32, #tpu.memory_space<hbm>>
      tpu.enqueue_dma source(%dma_start3A_53 : memref<1x128xi32, #tpu.memory_space<hbm>>) target(%dma_start3A_51 : memref<1x128xi32, #tpu.memory_space<vmem>>) target_semaphore(%dma_start3A_47 : memref<!tpu.dma_semaphore, #tpu.memory_space<semaphore_mem>>)
      %add3A_54 = arith.constant 0 : i32
      %add3A_55 = arith.constant 1 : i32
      %add3A_56 = arith.addi %add3A_54, %add3A_55 : i32
      %select_n3A_57 = arith.constant true
      %select_n3A_58 = arith.constant 0 : i32
      %select_n3A_59 = arith.select %select_n3A_57, %add3A_56, %select_n3A_58 : i32
      "tpu.trace_stop"() : () -> ()
      %scan3A = arith.constant 0 : i32
      %scan3A_60 = arith.constant 0 : i32
      %scan3A_61 = arith.constant 0 : i32
      %scan3A_62 = arith.constant 0 : i32
      %scan3A_63 = arith.constant 0 : i32
      %scan3A_64 = arith.constant 18 : i32
      %scan3A_65 = arith.addi %scan3A_63, %scan3A_64 : i32
      %scan3A_66 = arith.constant 1 : i32
      %scan3A_67:5 = scf.for %scan3A_121 = %scan3A_63 to %scan3A_65 step %scan3A_66 iter_args(%scan3A_122 = %select_n3A_59, %scan3A_123 = %scan3A, %scan3A_124 = %scan3A_60, %scan3A_125 = %scan3A_61, %scan3A_126 = %scan3A_62) -> (i32, i32, i32, i32, i32)  : i32 {
        %eq3A_127 = arith.constant 0 : i32
        %eq3A_128 = arith.cmpi eq, %scan3A_121, %eq3A_127 : i32
        %eq3A_129 = arith.constant 17 : i32
        %eq3A_130 = arith.cmpi eq, %scan3A_121, %eq3A_129 : i32
        %add3A_131 = arith.addi %scan3A_126, %mul3A_6 : i32
        %sub3A_132 = arith.constant 1 : i32
        %sub3A_133 = arith.subi %scan3A_126, %sub3A_132 : i32
        %select_n3A_134 = arith.constant true
        %select_n3A_135 = arith.select %select_n3A_134, %sub3A_133, %scan3A_126 : i32
        %eq3A_136 = arith.constant -1 : i32
        %eq3A_137 = arith.cmpi eq, %select_n3A_135, %eq3A_136 : i32
        %select_n3A_138 = arith.constant 17 : i32
        %select_n3A_139 = arith.select %eq3A_137, %select_n3A_138, %select_n3A_135 : i32
        %add3A_140 = arith.addi %select_n3A_139, %mul3A_6 : i32
        %add3A_141 = arith.constant 1 : i32
        %add3A_142 = arith.addi %scan3A_126, %add3A_141 : i32
        %select_n3A_143 = arith.constant true
        %select_n3A_144 = arith.select %select_n3A_143, %add3A_142, %scan3A_126 : i32
        %eq3A_145 = arith.constant 18 : i32
        %eq3A_146 = arith.cmpi eq, %select_n3A_144, %eq3A_145 : i32
        %select_n3A_147 = arith.constant 0 : i32
        %select_n3A_148 = arith.select %eq3A_146, %select_n3A_147, %select_n3A_144 : i32
        %add3A_149 = arith.addi %select_n3A_148, %mul3A_6 : i32
        %add3A_150 = arith.constant 1 : i32
        %add3A_151 = arith.addi %select_n3A_148, %add3A_150 : i32
        %select_n3A_152 = arith.constant true
        %select_n3A_153 = arith.select %select_n3A_152, %add3A_151, %select_n3A_148 : i32
        %eq3A_154 = arith.constant 18 : i32
        %eq3A_155 = arith.cmpi eq, %select_n3A_153, %eq3A_154 : i32
        %select_n3A_156 = arith.constant 0 : i32
        %select_n3A_157 = arith.select %eq3A_155, %select_n3A_156, %select_n3A_153 : i32
        %add3A_158 = arith.addi %select_n3A_157, %mul3A_6 : i32
        %ne3A = arith.cmpi ne, %add3A_131, %add3A_149 : i32
        %or3A = arith.constant false
        %or3A_159 = arith.ori %or3A, %ne3A : i1
        %ge3A = arith.constant 17 : i32
        %ge3A_160 = arith.cmpi sge, %scan3A_121, %ge3A : i32
        %not3A = arith.constant true
        %not3A_161 = arith.xori %ge3A_160, %not3A : i1
        %and3A = arith.andi %or3A_159, %not3A_161 : i1
        %convert_element_type3A = arith.extui %and3A : i1 to i32
        %cond3A = arith.constant 0 : i32
        %cond3A_162 = arith.cmpi ne, %convert_element_type3A, %cond3A : i32
        scf.if %cond3A_162 {
          "tpu.trace_start"() <{level = 10 : i32, message = "ep_copy_in"}> : () -> ()
          %rem3A_264 = arith.constant 2 : i32
          %rem3A_265 = arith.remui %scan3A_122, %rem3A_264 : i32
          %mul3A_266 = arith.constant 128 : i32
          %mul3A_267 = arith.muli %mul3A_266, %add3A_149 : i32
          %dma_start3A_268 = arith.constant 0 : i32
          %dma_start3A_269 = arith.constant 0 : i32
          %dma_start3A_270 = tpu.memref_slice %run_scoped3A[%rem3A_265, %dma_start3A_268, %dma_start3A_269] : memref<2x1x128xi32, #tpu.memory_space<vmem>> -> memref<1x1x128xi32, #tpu.memory_space<vmem>>
          %dma_start3A_271 = tpu.memref_squeeze %dma_start3A_270 : memref<1x1x128xi32, #tpu.memory_space<vmem>> -> memref<1x128xi32, #tpu.memory_space<vmem>>
          %dma_start3A_272 = arith.constant 0 : i32
          %dma_start3A_273 = tpu.memref_slice %arg3[%dma_start3A_272, %mul3A_267] : memref<1x73728xi32, #tpu.memory_space<hbm>> -> memref<1x128xi32, #tpu.memory_space<hbm>>
          %dma_start3A_274 = tpu.memref_slice %run_scoped3A_7[%rem3A_265] : memref<2x!tpu.dma_semaphore, #tpu.memory_space<semaphore_mem>> -> memref<1x!tpu.dma_semaphore, #tpu.memory_space<semaphore_mem>>
          %dma_start3A_275 = tpu.memref_squeeze %dma_start3A_274 : memref<1x!tpu.dma_semaphore, #tpu.memory_space<semaphore_mem>> -> memref<!tpu.dma_semaphore, #tpu.memory_space<semaphore_mem>>
          %dma_start3A_276 = arith.constant 0 : i32
          %dma_start3A_277 = arith.constant 0 : i32
          %dma_start3A_278 = tpu.memref_slice %run_scoped3A[%rem3A_265, %dma_start3A_276, %dma_start3A_277] : memref<2x1x128xi32, #tpu.memory_space<vmem>> -> memref<1x1x128xi32, #tpu.memory_space<vmem>>
          %dma_start3A_279 = tpu.memref_squeeze %dma_start3A_278 : memref<1x1x128xi32, #tpu.memory_space<vmem>> -> memref<1x128xi32, #tpu.memory_space<vmem>>
          %dma_start3A_280 = arith.constant 0 : i32
          %dma_start3A_281 = tpu.memref_slice %arg3[%dma_start3A_280, %mul3A_267] : memref<1x73728xi32, #tpu.memory_space<hbm>> -> memref<1x128xi32, #tpu.memory_space<hbm>>
          tpu.enqueue_dma source(%dma_start3A_281 : memref<1x128xi32, #tpu.memory_space<hbm>>) target(%dma_start3A_279 : memref<1x128xi32, #tpu.memory_space<vmem>>) target_semaphore(%dma_start3A_275 : memref<!tpu.dma_semaphore, #tpu.memory_space<semaphore_mem>>)
          "tpu.trace_stop"() : () -> ()
        } else {
        }
        %and3A_163 = arith.constant true
        %and3A_164 = arith.andi %and3A, %and3A_163 : i1
        %add3A_165 = arith.constant 1 : i32
        %add3A_166 = arith.addi %scan3A_122, %add3A_165 : i32
        %select_n3A_167 = arith.select %and3A_164, %add3A_166, %scan3A_122 : i32
        %ne3A_168 = arith.cmpi ne, %add3A_131, %add3A_149 : i32
        %or3A_169 = arith.constant false
        %or3A_170 = arith.ori %or3A_169, %ne3A_168 : i1
        %or3A_171 = arith.constant false
        %or3A_172 = arith.ori %or3A_170, %or3A_171 : i1
        %ge3A_173 = arith.constant 17 : i32
        %ge3A_174 = arith.cmpi sge, %scan3A_121, %ge3A_173 : i32
        %not3A_175 = arith.constant true
        %not3A_176 = arith.xori %ge3A_174, %not3A_175 : i1
        %and3A_177 = arith.andi %or3A_172, %not3A_176 : i1
        %ne3A_178 = arith.cmpi ne, %add3A_131, %add3A_140 : i32
        %or3A_179 = arith.constant false
        %or3A_180 = arith.ori %or3A_179, %ne3A_178 : i1
        %or3A_181 = arith.ori %or3A_180, %eq3A_128 : i1
        %convert_element_type3A_182 = arith.extui %or3A_181 : i1 to i32
        %cond3A_183 = arith.constant 0 : i32
        %cond3A_184 = arith.cmpi ne, %convert_element_type3A_182, %cond3A_183 : i32
        scf.if %cond3A_184 {
          "tpu.trace_start"() <{level = 10 : i32, message = "ep_wait_in"}> : () -> ()
          %mul3A_264 = arith.constant 128 : i32
          %mul3A_265 = arith.muli %mul3A_264, %add3A_131 : i32
          %rem3A_266 = arith.constant 2 : i32
          %rem3A_267 = arith.remui %scan3A_123, %rem3A_266 : i32
          %dma_wait3A_268 = arith.constant 0 : i32
          %dma_wait3A_269 = arith.constant 0 : i32
          %dma_wait3A_270 = tpu.memref_slice %run_scoped3A[%rem3A_267, %dma_wait3A_268, %dma_wait3A_269] : memref<2x1x128xi32, #tpu.memory_space<vmem>> -> memref<1x1x128xi32, #tpu.memory_space<vmem>>
          %dma_wait3A_271 = tpu.memref_squeeze %dma_wait3A_270 : memref<1x1x128xi32, #tpu.memory_space<vmem>> -> memref<1x128xi32, #tpu.memory_space<vmem>>
          %dma_wait3A_272 = arith.constant 0 : i32
          %dma_wait3A_273 = tpu.memref_slice %arg3[%dma_wait3A_272, %mul3A_265] : memref<1x73728xi32, #tpu.memory_space<hbm>> -> memref<1x128xi32, #tpu.memory_space<hbm>>
          %dma_wait3A_274 = tpu.memref_slice %run_scoped3A_7[%rem3A_267] : memref<2x!tpu.dma_semaphore, #tpu.memory_space<semaphore_mem>> -> memref<1x!tpu.dma_semaphore, #tpu.memory_space<semaphore_mem>>
          %dma_wait3A_275 = tpu.memref_squeeze %dma_wait3A_274 : memref<1x!tpu.dma_semaphore, #tpu.memory_space<semaphore_mem>> -> memref<!tpu.dma_semaphore, #tpu.memory_space<semaphore_mem>>
          %dma_wait3A_276 = arith.constant 0 : i32
          %dma_wait3A_277 = arith.constant 0 : i32
          %dma_wait3A_278 = tpu.memref_slice %run_scoped3A[%rem3A_267, %dma_wait3A_276, %dma_wait3A_277] : memref<2x1x128xi32, #tpu.memory_space<vmem>> -> memref<1x1x128xi32, #tpu.memory_space<vmem>>
          %dma_wait3A_279 = tpu.memref_squeeze %dma_wait3A_278 : memref<1x1x128xi32, #tpu.memory_space<vmem>> -> memref<1x128xi32, #tpu.memory_space<vmem>>
          %dma_wait3A_280 = arith.constant 0 : i32
          %dma_wait3A_281 = tpu.memref_slice %arg3[%dma_wait3A_280, %mul3A_265] : memref<1x73728xi32, #tpu.memory_space<hbm>> -> memref<1x128xi32, #tpu.memory_space<hbm>>
          tpu.wait_dma2 semaphore(%dma_wait3A_275 : memref<!tpu.dma_semaphore, #tpu.memory_space<semaphore_mem>>) src(%dma_wait3A_281 : memref<1x128xi32, #tpu.memory_space<hbm>>) dst(%dma_wait3A_279 : memref<1x128xi32, #tpu.memory_space<vmem>>)
          "tpu.trace_stop"() : () -> ()
        } else {
        }
        %ne3A_185 = arith.cmpi ne, %add3A_131, %add3A_140 : i32
        %or3A_186 = arith.constant false
        %or3A_187 = arith.ori %or3A_186, %ne3A_185 : i1
        %or3A_188 = arith.constant false
        %or3A_189 = arith.ori %or3A_187, %or3A_188 : i1
        %or3A_190 = arith.ori %or3A_189, %eq3A_128 : i1
        %convert_element_type3A_191 = arith.extui %or3A_190 : i1 to i32
        %cond3A_192 = arith.constant 0 : i32
        %cond3A_193 = arith.cmpi ne, %convert_element_type3A_191, %cond3A_192 : i32
        scf.if %cond3A_193 {
        } else {
        }
        %rem3A_194 = arith.constant 2 : i32
        %rem3A_195 = arith.remui %scan3A_123, %rem3A_194 : i32
        %rem3A_196 = arith.constant 2 : i32
        %rem3A_197 = arith.remui %scan3A_124, %rem3A_196 : i32
        %run_scoped3A_198 = arith.constant 0 : i32
        "tpu.trace_start"() <{level = 10 : i32, message = "ep_run_kernel"}> : () -> ()
        "tpu.region"() ({
          %run_scoped3A_264 = tpu.sem_alloc : memref<!tpu.dma_semaphore, #tpu.memory_space<semaphore_mem>>
          %dma_start3A_265 = arith.constant 0 : i32
          %dma_start3A_266 = arith.constant 0 : i32
          %dma_start3A_267 = tpu.memref_slice %run_scoped3A_8[%rem3A_197, %dma_start3A_265, %dma_start3A_266] : memref<2x128x256xf32, #tpu.memory_space<vmem>> -> memref<1x128x256xf32, #tpu.memory_space<vmem>>
          %dma_start3A_268 = tpu.memref_squeeze %dma_start3A_267 : memref<1x128x256xf32, #tpu.memory_space<vmem>> -> memref<128x256xf32, #tpu.memory_space<vmem>>
          %dma_start3A_269 = arith.constant 0 : i32
          %dma_start3A_270 = arith.constant 0 : i32
          %dma_start3A_271 = tpu.memref_slice %run_scoped3A[%rem3A_195, %dma_start3A_269, %dma_start3A_270] : memref<2x1x128xi32, #tpu.memory_space<vmem>> -> memref<1x1x128xi32, #tpu.memory_space<vmem>>
          %dma_start3A_272 = tpu.memref_squeeze %dma_start3A_271 : memref<1x1x128xi32, #tpu.memory_space<vmem>> -> memref<1x128xi32, #tpu.memory_space<vmem>>
          %dma_start3A_273 = arith.constant 0 : i32
          %dma_start3A_274 = tpu.memref_slice %dma_start3A_272[%run_scoped3A_198, %dma_start3A_273] : memref<1x128xi32, #tpu.memory_space<vmem>> -> memref<1x128xi32, #tpu.memory_space<vmem>>
          %dma_start3A_275 = tpu.memref_squeeze %dma_start3A_274 : memref<1x128xi32, #tpu.memory_space<vmem>> -> memref<128xi32, #tpu.memory_space<vmem>>
          %dma_start3A_276 = arith.constant 0 : i32
          %dma_start3A_277 = arith.constant 0 : i32
          %dma_start3A_278 = tpu.memref_slice %arg2[%dma_start3A_276, %dma_start3A_277] : memref<131072x256xf32, #tpu.memory_space<hbm>> -> memref<131072x256xf32, #tpu.memory_space<hbm>>
          tpu.enqueue_indirect_dma source(%dma_start3A_278 : memref<131072x256xf32, #tpu.memory_space<hbm>>) target(%dma_start3A_268 : memref<128x256xf32, #tpu.memory_space<vmem>>) offsets(%dma_start3A_275 : memref<128xi32, #tpu.memory_space<vmem>>) semaphore(%run_scoped3A_264 : memref<!tpu.dma_semaphore, #tpu.memory_space<semaphore_mem>>)
          %dma_wait3A_279 = arith.constant 0 : i32
          %dma_wait3A_280 = arith.constant 0 : i32
          %dma_wait3A_281 = tpu.memref_slice %run_scoped3A_8[%rem3A_197, %dma_wait3A_279, %dma_wait3A_280] : memref<2x128x256xf32, #tpu.memory_space<vmem>> -> memref<1x128x256xf32, #tpu.memory_space<vmem>>
          %dma_wait3A_282 = tpu.memref_squeeze %dma_wait3A_281 : memref<1x128x256xf32, #tpu.memory_space<vmem>> -> memref<128x256xf32, #tpu.memory_space<vmem>>
          %dma_wait3A_283 = arith.constant 0 : i32
          %dma_wait3A_284 = arith.constant 0 : i32
          %dma_wait3A_285 = tpu.memref_slice %run_scoped3A[%rem3A_195, %dma_wait3A_283, %dma_wait3A_284] : memref<2x1x128xi32, #tpu.memory_space<vmem>> -> memref<1x1x128xi32, #tpu.memory_space<vmem>>
          %dma_wait3A_286 = tpu.memref_squeeze %dma_wait3A_285 : memref<1x1x128xi32, #tpu.memory_space<vmem>> -> memref<1x128xi32, #tpu.memory_space<vmem>>
          %dma_wait3A_287 = arith.constant 0 : i32
          %dma_wait3A_288 = tpu.memref_slice %dma_wait3A_286[%run_scoped3A_198, %dma_wait3A_287] : memref<1x128xi32, #tpu.memory_space<vmem>> -> memref<1x128xi32, #tpu.memory_space<vmem>>
          %dma_wait3A_289 = tpu.memref_squeeze %dma_wait3A_288 : memref<1x128xi32, #tpu.memory_space<vmem>> -> memref<128xi32, #tpu.memory_space<vmem>>
          %dma_wait3A_290 = arith.constant 0 : i32
          %dma_wait3A_291 = arith.constant 0 : i32
          %dma_wait3A_292 = tpu.memref_slice %arg2[%dma_wait3A_290, %dma_wait3A_291] : memref<131072x256xf32, #tpu.memory_space<hbm>> -> memref<131072x256xf32, #tpu.memory_space<hbm>>
          tpu.wait_indirect_dma semaphore(%run_scoped3A_264 : memref<!tpu.dma_semaphore, #tpu.memory_space<semaphore_mem>>) src(%dma_wait3A_292 : memref<131072x256xf32, #tpu.memory_space<hbm>>) dst(%dma_wait3A_282 : memref<128x256xf32, #tpu.memory_space<vmem>>)
          tpu.yield
        }) : () -> ()
        "tpu.trace_stop"() : () -> ()
        %ne3A_199 = arith.cmpi ne, %add3A_131, %add3A_149 : i32
        %or3A_200 = arith.constant false
        %or3A_201 = arith.ori %or3A_200, %ne3A_199 : i1
        %or3A_202 = arith.ori %or3A_201, %eq3A_130 : i1
        %convert_element_type3A_203 = arith.extui %or3A_202 : i1 to i32
        %cond3A_204 = arith.constant 0 : i32
        %cond3A_205 = arith.cmpi ne, %convert_element_type3A_203, %cond3A_204 : i32
        scf.if %cond3A_205 {
        } else {
        }
        %and3A_206 = arith.constant false
        %and3A_207 = arith.andi %or3A_202, %and3A_206 : i1
        %ne3A_208 = arith.cmpi ne, %add3A_131, %add3A_149 : i32
        %or3A_209 = arith.constant false
        %or3A_210 = arith.ori %or3A_209, %ne3A_208 : i1
        %or3A_211 = arith.constant false
        %or3A_212 = arith.ori %or3A_210, %or3A_211 : i1
        %or3A_213 = arith.ori %or3A_212, %eq3A_130 : i1
        %convert_element_type3A_214 = arith.extui %or3A_213 : i1 to i32
        %cond3A_215 = arith.constant 0 : i32
        %cond3A_216 = arith.cmpi ne, %convert_element_type3A_214, %cond3A_215 : i32
        scf.if %cond3A_216 {
          "tpu.trace_start"() <{level = 10 : i32, message = "ep_copy_out"}> : () -> ()
          %rem3A_264 = arith.constant 2 : i32
          %rem3A_265 = arith.remui %scan3A_124, %rem3A_264 : i32
          %mul3A_266 = arith.constant 128 : i32
          %mul3A_267 = arith.muli %mul3A_266, %add3A_131 : i32
          %dma_start3A_268 = arith.constant 0 : i32
          %dma_start3A_269 = arith.constant 0 : i32
          %dma_start3A_270 = tpu.memref_slice %run_scoped3A_8[%rem3A_265, %dma_start3A_268, %dma_start3A_269] : memref<2x128x256xf32, #tpu.memory_space<vmem>> -> memref<1x128x256xf32, #tpu.memory_space<vmem>>
          %dma_start3A_271 = tpu.memref_squeeze %dma_start3A_270 : memref<1x128x256xf32, #tpu.memory_space<vmem>> -> memref<128x256xf32, #tpu.memory_space<vmem>>
          %dma_start3A_272 = arith.constant 0 : i32
          %dma_start3A_273 = tpu.memref_slice %arg4[%mul3A_267, %dma_start3A_272] : memref<73728x256xf32, #tpu.memory_space<hbm>> -> memref<128x256xf32, #tpu.memory_space<hbm>>
          %dma_start3A_274 = tpu.memref_slice %run_scoped3A_9[%rem3A_265] : memref<2x!tpu.dma_semaphore, #tpu.memory_space<semaphore_mem>> -> memref<1x!tpu.dma_semaphore, #tpu.memory_space<semaphore_mem>>
          %dma_start3A_275 = tpu.memref_squeeze %dma_start3A_274 : memref<1x!tpu.dma_semaphore, #tpu.memory_space<semaphore_mem>> -> memref<!tpu.dma_semaphore, #tpu.memory_space<semaphore_mem>>
          %dma_start3A_276 = arith.constant 0 : i32
          %dma_start3A_277 = tpu.memref_slice %arg4[%mul3A_267, %dma_start3A_276] : memref<73728x256xf32, #tpu.memory_space<hbm>> -> memref<128x256xf32, #tpu.memory_space<hbm>>
          %dma_start3A_278 = arith.constant 0 : i32
          %dma_start3A_279 = arith.constant 0 : i32
          %dma_start3A_280 = tpu.memref_slice %run_scoped3A_8[%rem3A_265, %dma_start3A_278, %dma_start3A_279] : memref<2x128x256xf32, #tpu.memory_space<vmem>> -> memref<1x128x256xf32, #tpu.memory_space<vmem>>
          %dma_start3A_281 = tpu.memref_squeeze %dma_start3A_280 : memref<1x128x256xf32, #tpu.memory_space<vmem>> -> memref<128x256xf32, #tpu.memory_space<vmem>>
          tpu.enqueue_dma source(%dma_start3A_281 : memref<128x256xf32, #tpu.memory_space<vmem>>) target(%dma_start3A_277 : memref<128x256xf32, #tpu.memory_space<hbm>>) target_semaphore(%dma_start3A_275 : memref<!tpu.dma_semaphore, #tpu.memory_space<semaphore_mem>>)
          "tpu.trace_stop"() : () -> ()
        } else {
        }
        %and3A_217 = arith.constant true
        %and3A_218 = arith.andi %or3A_213, %and3A_217 : i1
        %add3A_219 = arith.constant 1 : i32
        %add3A_220 = arith.addi %scan3A_124, %add3A_219 : i32
        %select_n3A_221 = arith.select %and3A_218, %add3A_220, %scan3A_124 : i32
        %ne3A_222 = arith.cmpi ne, %add3A_131, %add3A_140 : i32
        %or3A_223 = arith.constant false
        %or3A_224 = arith.ori %or3A_223, %ne3A_222 : i1
        %not3A_225 = arith.constant true
        %not3A_226 = arith.xori %eq3A_128, %not3A_225 : i1
        %and3A_227 = arith.andi %or3A_224, %not3A_226 : i1
        %convert_element_type3A_228 = arith.extui %and3A_227 : i1 to i32
        %cond3A_229 = arith.constant 0 : i32
        %cond3A_230 = arith.cmpi ne, %convert_element_type3A_228, %cond3A_229 : i32
        scf.if %cond3A_230 {
        } else {
        }
        %and3A_231 = arith.constant false
        %and3A_232 = arith.andi %and3A_227, %and3A_231 : i1
        %ne3A_233 = arith.cmpi ne, %add3A_131, %add3A_140 : i32
        %or3A_234 = arith.constant false
        %or3A_235 = arith.ori %or3A_234, %ne3A_233 : i1
        %or3A_236 = arith.constant false
        %or3A_237 = arith.ori %or3A_235, %or3A_236 : i1
        %not3A_238 = arith.constant true
        %not3A_239 = arith.xori %eq3A_128, %not3A_238 : i1
        %and3A_240 = arith.andi %or3A_237, %not3A_239 : i1
        %convert_element_type3A_241 = arith.extui %and3A_240 : i1 to i32
        %cond3A_242 = arith.constant 0 : i32
        %cond3A_243 = arith.cmpi ne, %convert_element_type3A_241, %cond3A_242 : i32
        scf.if %cond3A_243 {
          "tpu.trace_start"() <{level = 10 : i32, message = "ep_wait_out"}> : () -> ()
          %rem3A_264 = arith.constant 2 : i32
          %rem3A_265 = arith.remui %scan3A_125, %rem3A_264 : i32
          %mul3A_266 = arith.constant 128 : i32
          %mul3A_267 = arith.muli %mul3A_266, %add3A_140 : i32
          %dma_wait3A_268 = arith.constant 0 : i32
          %dma_wait3A_269 = arith.constant 0 : i32
          %dma_wait3A_270 = tpu.memref_slice %run_scoped3A_8[%rem3A_265, %dma_wait3A_268, %dma_wait3A_269] : memref<2x128x256xf32, #tpu.memory_space<vmem>> -> memref<1x128x256xf32, #tpu.memory_space<vmem>>
          %dma_wait3A_271 = tpu.memref_squeeze %dma_wait3A_270 : memref<1x128x256xf32, #tpu.memory_space<vmem>> -> memref<128x256xf32, #tpu.memory_space<vmem>>
          %dma_wait3A_272 = arith.constant 0 : i32
          %dma_wait3A_273 = tpu.memref_slice %arg4[%mul3A_267, %dma_wait3A_272] : memref<73728x256xf32, #tpu.memory_space<hbm>> -> memref<128x256xf32, #tpu.memory_space<hbm>>
          %dma_wait3A_274 = tpu.memref_slice %run_scoped3A_9[%rem3A_265] : memref<2x!tpu.dma_semaphore, #tpu.memory_space<semaphore_mem>> -> memref<1x!tpu.dma_semaphore, #tpu.memory_space<semaphore_mem>>
          %dma_wait3A_275 = tpu.memref_squeeze %dma_wait3A_274 : memref<1x!tpu.dma_semaphore, #tpu.memory_space<semaphore_mem>> -> memref<!tpu.dma_semaphore, #tpu.memory_space<semaphore_mem>>
          %dma_wait3A_276 = arith.constant 0 : i32
          %dma_wait3A_277 = tpu.memref_slice %arg4[%mul3A_267, %dma_wait3A_276] : memref<73728x256xf32, #tpu.memory_space<hbm>> -> memref<128x256xf32, #tpu.memory_space<hbm>>
          %dma_wait3A_278 = arith.constant 0 : i32
          %dma_wait3A_279 = arith.constant 0 : i32
          %dma_wait3A_280 = tpu.memref_slice %run_scoped3A_8[%rem3A_265, %dma_wait3A_278, %dma_wait3A_279] : memref<2x128x256xf32, #tpu.memory_space<vmem>> -> memref<1x128x256xf32, #tpu.memory_space<vmem>>
          %dma_wait3A_281 = tpu.memref_squeeze %dma_wait3A_280 : memref<1x128x256xf32, #tpu.memory_space<vmem>> -> memref<128x256xf32, #tpu.memory_space<vmem>>
          tpu.wait_dma2 semaphore(%dma_wait3A_275 : memref<!tpu.dma_semaphore, #tpu.memory_space<semaphore_mem>>) src(%dma_wait3A_281 : memref<128x256xf32, #tpu.memory_space<vmem>>) dst(%dma_wait3A_277 : memref<128x256xf32, #tpu.memory_space<hbm>>)
          "tpu.trace_stop"() : () -> ()
        } else {
        }
        %and3A_244 = arith.constant true
        %and3A_245 = arith.andi %and3A_240, %and3A_244 : i1
        %add3A_246 = arith.constant 1 : i32
        %add3A_247 = arith.addi %scan3A_125, %add3A_246 : i32
        %select_n3A_248 = arith.select %and3A_245, %add3A_247, %scan3A_125 : i32
        %ne3A_249 = arith.cmpi ne, %add3A_131, %add3A_149 : i32
        %or3A_250 = arith.constant false
        %or3A_251 = arith.ori %or3A_250, %ne3A_249 : i1
        %or3A_252 = arith.ori %or3A_251, %eq3A_130 : i1
        %add3A_253 = arith.constant 1 : i32
        %add3A_254 = arith.addi %scan3A_123, %add3A_253 : i32
        %select_n3A_255 = arith.select %or3A_252, %add3A_254, %scan3A_123 : i32
        %add3A_256 = arith.constant 1 : i32
        %add3A_257 = arith.addi %scan3A_126, %add3A_256 : i32
        %select_n3A_258 = arith.constant true
        %select_n3A_259 = arith.select %select_n3A_258, %add3A_257, %scan3A_126 : i32
        %eq3A_260 = arith.constant 18 : i32
        %eq3A_261 = arith.cmpi eq, %select_n3A_259, %eq3A_260 : i32
        %select_n3A_262 = arith.constant 0 : i32
        %select_n3A_263 = arith.select %eq3A_261, %select_n3A_262, %select_n3A_259 : i32
        scf.yield %select_n3A_167, %select_n3A_255, %select_n3A_221, %select_n3A_248, %select_n3A_263 : i32, i32, i32, i32, i32
      }
      %scan3A_68 = arith.constant 18 : i32
      %sub3A = arith.constant 1 : i32
      %sub3A_69 = arith.subi %scan3A_67#4, %sub3A : i32
      %select_n3A_70 = arith.constant true
      %select_n3A_71 = arith.select %select_n3A_70, %sub3A_69, %scan3A_67#4 : i32
      %eq3A_72 = arith.constant -1 : i32
      %eq3A_73 = arith.cmpi eq, %select_n3A_71, %eq3A_72 : i32
      %select_n3A_74 = arith.constant 17 : i32
      %select_n3A_75 = arith.select %eq3A_73, %select_n3A_74, %select_n3A_71 : i32
      %add3A_76 = arith.addi %select_n3A_75, %mul3A_6 : i32
      %sub3A_77 = arith.constant 1 : i32
      %sub3A_78 = arith.subi %select_n3A_75, %sub3A_77 : i32
      %select_n3A_79 = arith.constant true
      %select_n3A_80 = arith.select %select_n3A_79, %sub3A_78, %select_n3A_75 : i32
      %eq3A_81 = arith.constant -1 : i32
      %eq3A_82 = arith.cmpi eq, %select_n3A_80, %eq3A_81 : i32
      %select_n3A_83 = arith.constant 17 : i32
      %select_n3A_84 = arith.select %eq3A_82, %select_n3A_83, %select_n3A_80 : i32
      %add3A_85 = arith.addi %select_n3A_84, %mul3A_6 : i32
      %add3A_86 = arith.constant 1 : i32
      %add3A_87 = arith.addi %select_n3A_75, %add3A_86 : i32
      %select_n3A_88 = arith.constant true
      %select_n3A_89 = arith.select %select_n3A_88, %add3A_87, %select_n3A_75 : i32
      %eq3A_90 = arith.constant 18 : i32
      %eq3A_91 = arith.cmpi eq, %select_n3A_89, %eq3A_90 : i32
      %select_n3A_92 = arith.constant 0 : i32
      %select_n3A_93 = arith.select %eq3A_91, %select_n3A_92, %select_n3A_89 : i32
      %add3A_94 = arith.addi %select_n3A_93, %mul3A_6 : i32
      %add3A_95 = arith.constant 1 : i32
      %add3A_96 = arith.addi %select_n3A_93, %add3A_95 : i32
      %select_n3A_97 = arith.constant true
      %select_n3A_98 = arith.select %select_n3A_97, %add3A_96, %select_n3A_93 : i32
      %eq3A_99 = arith.constant 18 : i32
      %eq3A_100 = arith.cmpi eq, %select_n3A_98, %eq3A_99 : i32
      %select_n3A_101 = arith.constant 0 : i32
      %select_n3A_102 = arith.select %eq3A_100, %select_n3A_101, %select_n3A_98 : i32
      %add3A_103 = arith.addi %select_n3A_102, %mul3A_6 : i32
      "tpu.trace_start"() <{level = 10 : i32, message = "ep_finalize"}> : () -> ()
      %rem3A_104 = arith.constant 2 : i32
      %rem3A_105 = arith.remui %scan3A_67#3, %rem3A_104 : i32
      %mul3A_106 = arith.constant 128 : i32
      %mul3A_107 = arith.muli %mul3A_106, %add3A_76 : i32
      %dma_wait3A = arith.constant 0 : i32
      %dma_wait3A_108 = arith.constant 0 : i32
      %dma_wait3A_109 = tpu.memref_slice %run_scoped3A_8[%rem3A_105, %dma_wait3A, %dma_wait3A_108] : memref<2x128x256xf32, #tpu.memory_space<vmem>> -> memref<1x128x256xf32, #tpu.memory_space<vmem>>
      %dma_wait3A_110 = tpu.memref_squeeze %dma_wait3A_109 : memref<1x128x256xf32, #tpu.memory_space<vmem>> -> memref<128x256xf32, #tpu.memory_space<vmem>>
      %dma_wait3A_111 = arith.constant 0 : i32
      %dma_wait3A_112 = tpu.memref_slice %arg4[%mul3A_107, %dma_wait3A_111] : memref<73728x256xf32, #tpu.memory_space<hbm>> -> memref<128x256xf32, #tpu.memory_space<hbm>>
      %dma_wait3A_113 = tpu.memref_slice %run_scoped3A_9[%rem3A_105] : memref<2x!tpu.dma_semaphore, #tpu.memory_space<semaphore_mem>> -> memref<1x!tpu.dma_semaphore, #tpu.memory_space<semaphore_mem>>
      %dma_wait3A_114 = tpu.memref_squeeze %dma_wait3A_113 : memref<1x!tpu.dma_semaphore, #tpu.memory_space<semaphore_mem>> -> memref<!tpu.dma_semaphore, #tpu.memory_space<semaphore_mem>>
      %dma_wait3A_115 = arith.constant 0 : i32
      %dma_wait3A_116 = tpu.memref_slice %arg4[%mul3A_107, %dma_wait3A_115] : memref<73728x256xf32, #tpu.memory_space<hbm>> -> memref<128x256xf32, #tpu.memory_space<hbm>>
      %dma_wait3A_117 = arith.constant 0 : i32
      %dma_wait3A_118 = arith.constant 0 : i32
      %dma_wait3A_119 = tpu.memref_slice %run_scoped3A_8[%rem3A_105, %dma_wait3A_117, %dma_wait3A_118] : memref<2x128x256xf32, #tpu.memory_space<vmem>> -> memref<1x128x256xf32, #tpu.memory_space<vmem>>
      %dma_wait3A_120 = tpu.memref_squeeze %dma_wait3A_119 : memref<1x128x256xf32, #tpu.memory_space<vmem>> -> memref<128x256xf32, #tpu.memory_space<vmem>>
      tpu.wait_dma2 semaphore(%dma_wait3A_114 : memref<!tpu.dma_semaphore, #tpu.memory_space<semaphore_mem>>) src(%dma_wait3A_120 : memref<128x256xf32, #tpu.memory_space<vmem>>) dst(%dma_wait3A_116 : memref<128x256xf32, #tpu.memory_space<hbm>>)
      "tpu.trace_stop"() : () -> ()
      tpu.yield
    }) : () -> ()
    return
  }
}

#map = affine_map<(d0, d1) -> (0, 0)>
module attributes {stable_mosaic.version = 14 : i64} {
  func.func @gather_kernel(%arg0: i32, %arg1: i32, %arg2: memref<131072x256xf32, #tpu.memory_space<hbm>>, %arg3: memref<1x73728xi32, #tpu.memory_space<hbm>>, %arg4: memref<73728x256xf32, #tpu.memory_space<hbm>>) attributes {dimension_semantics = [#tpu.dimension_semantics<core_parallel>, #tpu.dimension_semantics<subcore_parallel>], iteration_bounds = array<i64: 2, 16>, scalar_prefetch = 0 : i64, scratch_operands = 0 : i64, tpu.core_type = #tpu.core_type<sc_vector_subcore>, window_params = [{transform_indices = #map}, {transform_indices = #map}, {transform_indices = #map}]} {
    %mul3A = arith.constant 1 : i32
    %mul3A_0 = arith.muli %arg1, %mul3A : i32
    %add3A = arith.constant 0 : i32
    %add3A_1 = arith.addi %add3A, %mul3A_0 : i32
    %mul3A_2 = arith.constant 16 : i32
    %mul3A_3 = arith.muli %arg0, %mul3A_2 : i32
    %add3A_4 = arith.addi %add3A_1, %mul3A_3 : i32
    %mul3A_5 = arith.constant 18 : i32
    %mul3A_6 = arith.muli %add3A_4, %mul3A_5 : i32
    "tpu.region"() ({
      %run_scoped3A = memref.alloca() : memref<2x1x128xi32, #tpu.memory_space<vmem>>
      %run_scoped3A_7 = tpu.sem_alloc : memref<2x!tpu.dma_semaphore, #tpu.memory_space<semaphore_mem>>
      %run_scoped3A_8 = memref.alloca() : memref<2x128x256xf32, #tpu.memory_space<vmem>>
      %run_scoped3A_9 = tpu.sem_alloc : memref<2x!tpu.dma_semaphore, #tpu.memory_space<semaphore_mem>>
      %add3A_10 = arith.constant 0 : i32
      %add3A_11 = arith.addi %add3A_10, %mul3A_6 : i32
      %select_n3A = arith.constant true
      %select_n3A_12 = arith.constant 0 : i32
      %select_n3A_13 = arith.constant -1 : i32
      %select_n3A_14 = arith.select %select_n3A, %select_n3A_13, %select_n3A_12 : i32
      %eq3A = arith.constant -1 : i32
      %eq3A_15 = arith.cmpi eq, %select_n3A_14, %eq3A : i32
      %select_n3A_16 = arith.constant 17 : i32
      %select_n3A_17 = arith.select %eq3A_15, %select_n3A_16, %select_n3A_14 : i32
      %add3A_18 = arith.addi %select_n3A_17, %mul3A_6 : i32
      %select_n3A_19 = arith.constant true
      %select_n3A_20 = arith.constant 0 : i32
      %select_n3A_21 = arith.constant 1 : i32
      %select_n3A_22 = arith.select %select_n3A_19, %select_n3A_21, %select_n3A_20 : i32
      %eq3A_23 = arith.constant 18 : i32
      %eq3A_24 = arith.cmpi eq, %select_n3A_22, %eq3A_23 : i32
      %select_n3A_25 = arith.constant 0 : i32
      %select_n3A_26 = arith.select %eq3A_24, %select_n3A_25, %select_n3A_22 : i32
      %add3A_27 = arith.addi %select_n3A_26, %mul3A_6 : i32
      %add3A_28 = arith.constant 1 : i32
      %add3A_29 = arith.addi %select_n3A_26, %add3A_28 : i32
      %select_n3A_30 = arith.constant true
      %select_n3A_31 = arith.select %select_n3A_30, %add3A_29, %select_n3A_26 : i32
      %eq3A_32 = arith.constant 18 : i32
      %eq3A_33 = arith.cmpi eq, %select_n3A_31, %eq3A_32 : i32
      %select_n3A_34 = arith.constant 0 : i32
      %select_n3A_35 = arith.select %eq3A_33, %select_n3A_34, %select_n3A_31 : i32
      %add3A_36 = arith.addi %select_n3A_35, %mul3A_6 : i32
      "tpu.trace_start"() <{level = 10 : i32, message = "ep_initialize_0"}> : () -> ()
      %rem3A = arith.constant 0 : i32
      %rem3A_37 = arith.constant 2 : i32
      %rem3A_38 = arith.remui %rem3A, %rem3A_37 : i32
      %mul3A_39 = arith.constant 128 : i32
      %mul3A_40 = arith.muli %mul3A_39, %add3A_11 : i32
      %dma_start3A = arith.constant 0 : i32
      %dma_start3A_41 = arith.constant 0 : i32
      %dma_start3A_42 = tpu.memref_slice %run_scoped3A[%rem3A_38, %dma_start3A, %dma_start3A_41] : memref<2x1x128xi32, #tpu.memory_space<vmem>> -> memref<1x1x128xi32, #tpu.memory_space<vmem>>
      %dma_start3A_43 = tpu.memref_squeeze %dma_start3A_42 : memref<1x1x128xi32, #tpu.memory_space<vmem>> -> memref<1x128xi32, #tpu.memory_space<vmem>>
      %dma_start3A_44 = arith.constant 0 : i32
      %dma_start3A_45 = tpu.memref_slice %arg3[%dma_start3A_44, %mul3A_40] : memref<1x73728xi32, #tpu.memory_space<hbm>> -> memref<1x128xi32, #tpu.memory_space<hbm>>
      %dma_start3A_46 = tpu.memref_slice %run_scoped3A_7[%rem3A_38] : memref<2x!tpu.dma_semaphore, #tpu.memory_space<semaphore_mem>> -> memref<1x!tpu.dma_semaphore, #tpu.memory_space<semaphore_mem>>
      %dma_start3A_47 = tpu.memref_squeeze %dma_start3A_46 : memref<1x!tpu.dma_semaphore, #tpu.memory_space<semaphore_mem>> -> memref<!tpu.dma_semaphore, #tpu.memory_space<semaphore_mem>>
      %dma_start3A_48 = arith.constant 0 : i32
      %dma_start3A_49 = arith.constant 0 : i32
      %dma_start3A_50 = tpu.memref_slice %run_scoped3A[%rem3A_38, %dma_start3A_48, %dma_start3A_49] : memref<2x1x128xi32, #tpu.memory_space<vmem>> -> memref<1x1x128xi32, #tpu.memory_space<vmem>>
      %dma_start3A_51 = tpu.memref_squeeze %dma_start3A_50 : memref<1x1x128xi32, #tpu.memory_space<vmem>> -> memref<1x128xi32, #tpu.memory_space<vmem>>
      %dma_start3A_52 = arith.constant 0 : i32
      %dma_start3A_53 = tpu.memref_slice %arg3[%dma_start3A_52, %mul3A_40] : memref<1x73728xi32, #tpu.memory_space<hbm>> -> memref<1x128xi32, #tpu.memory_space<hbm>>
      tpu.enqueue_dma source(%dma_start3A_53 : memref<1x128xi32, #tpu.memory_space<hbm>>) target(%dma_start3A_51 : memref<1x128xi32, #tpu.memory_space<vmem>>) target_semaphore(%dma_start3A_47 : memref<!tpu.dma_semaphore, #tpu.memory_space<semaphore_mem>>)
      %add3A_54 = arith.constant 0 : i32
      %add3A_55 = arith.constant 1 : i32
      %add3A_56 = arith.addi %add3A_54, %add3A_55 : i32
      %select_n3A_57 = arith.constant true
      %select_n3A_58 = arith.constant 0 : i32
      %select_n3A_59 = arith.select %select_n3A_57, %add3A_56, %select_n3A_58 : i32
      "tpu.trace_stop"() : () -> ()
      %scan3A = arith.constant 0 : i32
      %scan3A_60 = arith.constant 0 : i32
      %scan3A_61 = arith.constant 0 : i32
      %scan3A_62 = arith.constant 0 : i32
      %scan3A_63 = arith.constant 0 : i32
      %scan3A_64 = arith.constant 18 : i32
      %scan3A_65 = arith.addi %scan3A_63, %scan3A_64 : i32
      %scan3A_66 = arith.constant 1 : i32
      %scan3A_67:5 = scf.for %scan3A_121 = %scan3A_63 to %scan3A_65 step %scan3A_66 iter_args(%scan3A_122 = %select_n3A_59, %scan3A_123 = %scan3A, %scan3A_124 = %scan3A_60, %scan3A_125 = %scan3A_61, %scan3A_126 = %scan3A_62) -> (i32, i32, i32, i32, i32)  : i32 {
        %eq3A_127 = arith.constant 0 : i32
        %eq3A_128 = arith.cmpi eq, %scan3A_121, %eq3A_127 : i32
        %eq3A_129 = arith.constant 17 : i32
        %eq3A_130 = arith.cmpi eq, %scan3A_121, %eq3A_129 : i32
        %add3A_131 = arith.addi %scan3A_126, %mul3A_6 : i32
        %sub3A_132 = arith.constant 1 : i32
        %sub3A_133 = arith.subi %scan3A_126, %sub3A_132 : i32
        %select_n3A_134 = arith.constant true
        %select_n3A_135 = arith.select %select_n3A_134, %sub3A_133, %scan3A_126 : i32
        %eq3A_136 = arith.constant -1 : i32
        %eq3A_137 = arith.cmpi eq, %select_n3A_135, %eq3A_136 : i32
        %select_n3A_138 = arith.constant 17 : i32
        %select_n3A_139 = arith.select %eq3A_137, %select_n3A_138, %select_n3A_135 : i32
        %add3A_140 = arith.addi %select_n3A_139, %mul3A_6 : i32
        %add3A_141 = arith.constant 1 : i32
        %add3A_142 = arith.addi %scan3A_126, %add3A_141 : i32
        %select_n3A_143 = arith.constant true
        %select_n3A_144 = arith.select %select_n3A_143, %add3A_142, %scan3A_126 : i32
        %eq3A_145 = arith.constant 18 : i32
        %eq3A_146 = arith.cmpi eq, %select_n3A_144, %eq3A_145 : i32
        %select_n3A_147 = arith.constant 0 : i32
        %select_n3A_148 = arith.select %eq3A_146, %select_n3A_147, %select_n3A_144 : i32
        %add3A_149 = arith.addi %select_n3A_148, %mul3A_6 : i32
        %add3A_150 = arith.constant 1 : i32
        %add3A_151 = arith.addi %select_n3A_148, %add3A_150 : i32
        %select_n3A_152 = arith.constant true
        %select_n3A_153 = arith.select %select_n3A_152, %add3A_151, %select_n3A_148 : i32
        %eq3A_154 = arith.constant 18 : i32
        %eq3A_155 = arith.cmpi eq, %select_n3A_153, %eq3A_154 : i32
        %select_n3A_156 = arith.constant 0 : i32
        %select_n3A_157 = arith.select %eq3A_155, %select_n3A_156, %select_n3A_153 : i32
        %add3A_158 = arith.addi %select_n3A_157, %mul3A_6 : i32
        %ne3A = arith.cmpi ne, %add3A_131, %add3A_149 : i32
        %or3A = arith.constant false
        %or3A_159 = arith.ori %or3A, %ne3A : i1
        %ge3A = arith.constant 17 : i32
        %ge3A_160 = arith.cmpi sge, %scan3A_121, %ge3A : i32
        %not3A = arith.constant true
        %not3A_161 = arith.xori %ge3A_160, %not3A : i1
        %and3A = arith.andi %or3A_159, %not3A_161 : i1
        %convert_element_type3A = arith.extui %and3A : i1 to i32
        %cond3A = arith.constant 0 : i32
        %cond3A_162 = arith.cmpi ne, %convert_element_type3A, %cond3A : i32
        scf.if %cond3A_162 {
          "tpu.trace_start"() <{level = 10 : i32, message = "ep_copy_in"}> : () -> ()
          %rem3A_264 = arith.constant 2 : i32
          %rem3A_265 = arith.remui %scan3A_122, %rem3A_264 : i32
          %mul3A_266 = arith.constant 128 : i32
          %mul3A_267 = arith.muli %mul3A_266, %add3A_149 : i32
          %dma_start3A_268 = arith.constant 0 : i32
          %dma_start3A_269 = arith.constant 0 : i32
          %dma_start3A_270 = tpu.memref_slice %run_scoped3A[%rem3A_265, %dma_start3A_268, %dma_start3A_269] : memref<2x1x128xi32, #tpu.memory_space<vmem>> -> memref<1x1x128xi32, #tpu.memory_space<vmem>>
          %dma_start3A_271 = tpu.memref_squeeze %dma_start3A_270 : memref<1x1x128xi32, #tpu.memory_space<vmem>> -> memref<1x128xi32, #tpu.memory_space<vmem>>
          %dma_start3A_272 = arith.constant 0 : i32
          %dma_start3A_273 = tpu.memref_slice %arg3[%dma_start3A_272, %mul3A_267] : memref<1x73728xi32, #tpu.memory_space<hbm>> -> memref<1x128xi32, #tpu.memory_space<hbm>>
          %dma_start3A_274 = tpu.memref_slice %run_scoped3A_7[%rem3A_265] : memref<2x!tpu.dma_semaphore, #tpu.memory_space<semaphore_mem>> -> memref<1x!tpu.dma_semaphore, #tpu.memory_space<semaphore_mem>>
          %dma_start3A_275 = tpu.memref_squeeze %dma_start3A_274 : memref<1x!tpu.dma_semaphore, #tpu.memory_space<semaphore_mem>> -> memref<!tpu.dma_semaphore, #tpu.memory_space<semaphore_mem>>
          %dma_start3A_276 = arith.constant 0 : i32
          %dma_start3A_277 = arith.constant 0 : i32
          %dma_start3A_278 = tpu.memref_slice %run_scoped3A[%rem3A_265, %dma_start3A_276, %dma_start3A_277] : memref<2x1x128xi32, #tpu.memory_space<vmem>> -> memref<1x1x128xi32, #tpu.memory_space<vmem>>
          %dma_start3A_279 = tpu.memref_squeeze %dma_start3A_278 : memref<1x1x128xi32, #tpu.memory_space<vmem>> -> memref<1x128xi32, #tpu.memory_space<vmem>>
          %dma_start3A_280 = arith.constant 0 : i32
          %dma_start3A_281 = tpu.memref_slice %arg3[%dma_start3A_280, %mul3A_267] : memref<1x73728xi32, #tpu.memory_space<hbm>> -> memref<1x128xi32, #tpu.memory_space<hbm>>
          tpu.enqueue_dma source(%dma_start3A_281 : memref<1x128xi32, #tpu.memory_space<hbm>>) target(%dma_start3A_279 : memref<1x128xi32, #tpu.memory_space<vmem>>) target_semaphore(%dma_start3A_275 : memref<!tpu.dma_semaphore, #tpu.memory_space<semaphore_mem>>)
          "tpu.trace_stop"() : () -> ()
        } else {
        }
        %and3A_163 = arith.constant true
        %and3A_164 = arith.andi %and3A, %and3A_163 : i1
        %add3A_165 = arith.constant 1 : i32
        %add3A_166 = arith.addi %scan3A_122, %add3A_165 : i32
        %select_n3A_167 = arith.select %and3A_164, %add3A_166, %scan3A_122 : i32
        %ne3A_168 = arith.cmpi ne, %add3A_131, %add3A_149 : i32
        %or3A_169 = arith.constant false
        %or3A_170 = arith.ori %or3A_169, %ne3A_168 : i1
        %or3A_171 = arith.constant false
        %or3A_172 = arith.ori %or3A_170, %or3A_171 : i1
        %ge3A_173 = arith.constant 17 : i32
        %ge3A_174 = arith.cmpi sge, %scan3A_121, %ge3A_173 : i32
        %not3A_175 = arith.constant true
        %not3A_176 = arith.xori %ge3A_174, %not3A_175 : i1
        %and3A_177 = arith.andi %or3A_172, %not3A_176 : i1
        %ne3A_178 = arith.cmpi ne, %add3A_131, %add3A_140 : i32
        %or3A_179 = arith.constant false
        %or3A_180 = arith.ori %or3A_179, %ne3A_178 : i1
        %or3A_181 = arith.ori %or3A_180, %eq3A_128 : i1
        %convert_element_type3A_182 = arith.extui %or3A_181 : i1 to i32
        %cond3A_183 = arith.constant 0 : i32
        %cond3A_184 = arith.cmpi ne, %convert_element_type3A_182, %cond3A_183 : i32
        scf.if %cond3A_184 {
          "tpu.trace_start"() <{level = 10 : i32, message = "ep_wait_in"}> : () -> ()
          %mul3A_264 = arith.constant 128 : i32
          %mul3A_265 = arith.muli %mul3A_264, %add3A_131 : i32
          %rem3A_266 = arith.constant 2 : i32
          %rem3A_267 = arith.remui %scan3A_123, %rem3A_266 : i32
          %dma_wait3A_268 = arith.constant 0 : i32
          %dma_wait3A_269 = arith.constant 0 : i32
          %dma_wait3A_270 = tpu.memref_slice %run_scoped3A[%rem3A_267, %dma_wait3A_268, %dma_wait3A_269] : memref<2x1x128xi32, #tpu.memory_space<vmem>> -> memref<1x1x128xi32, #tpu.memory_space<vmem>>
          %dma_wait3A_271 = tpu.memref_squeeze %dma_wait3A_270 : memref<1x1x128xi32, #tpu.memory_space<vmem>> -> memref<1x128xi32, #tpu.memory_space<vmem>>
          %dma_wait3A_272 = arith.constant 0 : i32
          %dma_wait3A_273 = tpu.memref_slice %arg3[%dma_wait3A_272, %mul3A_265] : memref<1x73728xi32, #tpu.memory_space<hbm>> -> memref<1x128xi32, #tpu.memory_space<hbm>>
          %dma_wait3A_274 = tpu.memref_slice %run_scoped3A_7[%rem3A_267] : memref<2x!tpu.dma_semaphore, #tpu.memory_space<semaphore_mem>> -> memref<1x!tpu.dma_semaphore, #tpu.memory_space<semaphore_mem>>
          %dma_wait3A_275 = tpu.memref_squeeze %dma_wait3A_274 : memref<1x!tpu.dma_semaphore, #tpu.memory_space<semaphore_mem>> -> memref<!tpu.dma_semaphore, #tpu.memory_space<semaphore_mem>>
          %dma_wait3A_276 = arith.constant 0 : i32
          %dma_wait3A_277 = arith.constant 0 : i32
          %dma_wait3A_278 = tpu.memref_slice %run_scoped3A[%rem3A_267, %dma_wait3A_276, %dma_wait3A_277] : memref<2x1x128xi32, #tpu.memory_space<vmem>> -> memref<1x1x128xi32, #tpu.memory_space<vmem>>
          %dma_wait3A_279 = tpu.memref_squeeze %dma_wait3A_278 : memref<1x1x128xi32, #tpu.memory_space<vmem>> -> memref<1x128xi32, #tpu.memory_space<vmem>>
          %dma_wait3A_280 = arith.constant 0 : i32
          %dma_wait3A_281 = tpu.memref_slice %arg3[%dma_wait3A_280, %mul3A_265] : memref<1x73728xi32, #tpu.memory_space<hbm>> -> memref<1x128xi32, #tpu.memory_space<hbm>>
          tpu.wait_dma2 semaphore(%dma_wait3A_275 : memref<!tpu.dma_semaphore, #tpu.memory_space<semaphore_mem>>) src(%dma_wait3A_281 : memref<1x128xi32, #tpu.memory_space<hbm>>) dst(%dma_wait3A_279 : memref<1x128xi32, #tpu.memory_space<vmem>>)
          "tpu.trace_stop"() : () -> ()
        } else {
        }
        %ne3A_185 = arith.cmpi ne, %add3A_131, %add3A_140 : i32
        %or3A_186 = arith.constant false
        %or3A_187 = arith.ori %or3A_186, %ne3A_185 : i1
        %or3A_188 = arith.constant false
        %or3A_189 = arith.ori %or3A_187, %or3A_188 : i1
        %or3A_190 = arith.ori %or3A_189, %eq3A_128 : i1
        %convert_element_type3A_191 = arith.extui %or3A_190 : i1 to i32
        %cond3A_192 = arith.constant 0 : i32
        %cond3A_193 = arith.cmpi ne, %convert_element_type3A_191, %cond3A_192 : i32
        scf.if %cond3A_193 {
        } else {
        }
        %rem3A_194 = arith.constant 2 : i32
        %rem3A_195 = arith.remui %scan3A_123, %rem3A_194 : i32
        %rem3A_196 = arith.constant 2 : i32
        %rem3A_197 = arith.remui %scan3A_124, %rem3A_196 : i32
        %run_scoped3A_198 = arith.constant 0 : i32
        "tpu.trace_start"() <{level = 10 : i32, message = "ep_run_kernel"}> : () -> ()
        "tpu.region"() ({
          %run_scoped3A_264 = tpu.sem_alloc : memref<!tpu.dma_semaphore, #tpu.memory_space<semaphore_mem>>
          %dma_start3A_265 = arith.constant 0 : i32
          %dma_start3A_266 = arith.constant 0 : i32
          %dma_start3A_267 = tpu.memref_slice %run_scoped3A_8[%rem3A_197, %dma_start3A_265, %dma_start3A_266] : memref<2x128x256xf32, #tpu.memory_space<vmem>> -> memref<1x128x256xf32, #tpu.memory_space<vmem>>
          %dma_start3A_268 = tpu.memref_squeeze %dma_start3A_267 : memref<1x128x256xf32, #tpu.memory_space<vmem>> -> memref<128x256xf32, #tpu.memory_space<vmem>>
          %dma_start3A_269 = arith.constant 0 : i32
          %dma_start3A_270 = arith.constant 0 : i32
          %dma_start3A_271 = tpu.memref_slice %run_scoped3A[%rem3A_195, %dma_start3A_269, %dma_start3A_270] : memref<2x1x128xi32, #tpu.memory_space<vmem>> -> memref<1x1x128xi32, #tpu.memory_space<vmem>>
          %dma_start3A_272 = tpu.memref_squeeze %dma_start3A_271 : memref<1x1x128xi32, #tpu.memory_space<vmem>> -> memref<1x128xi32, #tpu.memory_space<vmem>>
          %dma_start3A_273 = arith.constant 0 : i32
          %dma_start3A_274 = tpu.memref_slice %dma_start3A_272[%run_scoped3A_198, %dma_start3A_273] : memref<1x128xi32, #tpu.memory_space<vmem>> -> memref<1x128xi32, #tpu.memory_space<vmem>>
          %dma_start3A_275 = tpu.memref_squeeze %dma_start3A_274 : memref<1x128xi32, #tpu.memory_space<vmem>> -> memref<128xi32, #tpu.memory_space<vmem>>
          %dma_start3A_276 = arith.constant 0 : i32
          %dma_start3A_277 = arith.constant 0 : i32
          %dma_start3A_278 = tpu.memref_slice %arg2[%dma_start3A_276, %dma_start3A_277] : memref<131072x256xf32, #tpu.memory_space<hbm>> -> memref<131072x256xf32, #tpu.memory_space<hbm>>
          tpu.enqueue_indirect_dma source(%dma_start3A_278 : memref<131072x256xf32, #tpu.memory_space<hbm>>) target(%dma_start3A_268 : memref<128x256xf32, #tpu.memory_space<vmem>>) offsets(%dma_start3A_275 : memref<128xi32, #tpu.memory_space<vmem>>) semaphore(%run_scoped3A_264 : memref<!tpu.dma_semaphore, #tpu.memory_space<semaphore_mem>>)
          %dma_wait3A_279 = arith.constant 0 : i32
          %dma_wait3A_280 = arith.constant 0 : i32
          %dma_wait3A_281 = tpu.memref_slice %run_scoped3A_8[%rem3A_197, %dma_wait3A_279, %dma_wait3A_280] : memref<2x128x256xf32, #tpu.memory_space<vmem>> -> memref<1x128x256xf32, #tpu.memory_space<vmem>>
          %dma_wait3A_282 = tpu.memref_squeeze %dma_wait3A_281 : memref<1x128x256xf32, #tpu.memory_space<vmem>> -> memref<128x256xf32, #tpu.memory_space<vmem>>
          %dma_wait3A_283 = arith.constant 0 : i32
          %dma_wait3A_284 = arith.constant 0 : i32
          %dma_wait3A_285 = tpu.memref_slice %run_scoped3A[%rem3A_195, %dma_wait3A_283, %dma_wait3A_284] : memref<2x1x128xi32, #tpu.memory_space<vmem>> -> memref<1x1x128xi32, #tpu.memory_space<vmem>>
          %dma_wait3A_286 = tpu.memref_squeeze %dma_wait3A_285 : memref<1x1x128xi32, #tpu.memory_space<vmem>> -> memref<1x128xi32, #tpu.memory_space<vmem>>
          %dma_wait3A_287 = arith.constant 0 : i32
          %dma_wait3A_288 = tpu.memref_slice %dma_wait3A_286[%run_scoped3A_198, %dma_wait3A_287] : memref<1x128xi32, #tpu.memory_space<vmem>> -> memref<1x128xi32, #tpu.memory_space<vmem>>
          %dma_wait3A_289 = tpu.memref_squeeze %dma_wait3A_288 : memref<1x128xi32, #tpu.memory_space<vmem>> -> memref<128xi32, #tpu.memory_space<vmem>>
          %dma_wait3A_290 = arith.constant 0 : i32
          %dma_wait3A_291 = arith.constant 0 : i32
          %dma_wait3A_292 = tpu.memref_slice %arg2[%dma_wait3A_290, %dma_wait3A_291] : memref<131072x256xf32, #tpu.memory_space<hbm>> -> memref<131072x256xf32, #tpu.memory_space<hbm>>
          tpu.wait_indirect_dma semaphore(%run_scoped3A_264 : memref<!tpu.dma_semaphore, #tpu.memory_space<semaphore_mem>>) src(%dma_wait3A_292 : memref<131072x256xf32, #tpu.memory_space<hbm>>) dst(%dma_wait3A_282 : memref<128x256xf32, #tpu.memory_space<vmem>>)
          tpu.yield
        }) : () -> ()
        "tpu.trace_stop"() : () -> ()
        %ne3A_199 = arith.cmpi ne, %add3A_131, %add3A_149 : i32
        %or3A_200 = arith.constant false
        %or3A_201 = arith.ori %or3A_200, %ne3A_199 : i1
        %or3A_202 = arith.ori %or3A_201, %eq3A_130 : i1
        %convert_element_type3A_203 = arith.extui %or3A_202 : i1 to i32
        %cond3A_204 = arith.constant 0 : i32
        %cond3A_205 = arith.cmpi ne, %convert_element_type3A_203, %cond3A_204 : i32
        scf.if %cond3A_205 {
        } else {
        }
        %and3A_206 = arith.constant false
        %and3A_207 = arith.andi %or3A_202, %and3A_206 : i1
        %ne3A_208 = arith.cmpi ne, %add3A_131, %add3A_149 : i32
        %or3A_209 = arith.constant false
        %or3A_210 = arith.ori %or3A_209, %ne3A_208 : i1
        %or3A_211 = arith.constant false
        %or3A_212 = arith.ori %or3A_210, %or3A_211 : i1
        %or3A_213 = arith.ori %or3A_212, %eq3A_130 : i1
        %convert_element_type3A_214 = arith.extui %or3A_213 : i1 to i32
        %cond3A_215 = arith.constant 0 : i32
        %cond3A_216 = arith.cmpi ne, %convert_element_type3A_214, %cond3A_215 : i32
        scf.if %cond3A_216 {
          "tpu.trace_start"() <{level = 10 : i32, message = "ep_copy_out"}> : () -> ()
          %rem3A_264 = arith.constant 2 : i32
          %rem3A_265 = arith.remui %scan3A_124, %rem3A_264 : i32
          %mul3A_266 = arith.constant 128 : i32
          %mul3A_267 = arith.muli %mul3A_266, %add3A_131 : i32
          %dma_start3A_268 = arith.constant 0 : i32
          %dma_start3A_269 = arith.constant 0 : i32
          %dma_start3A_270 = tpu.memref_slice %run_scoped3A_8[%rem3A_265, %dma_start3A_268, %dma_start3A_269] : memref<2x128x256xf32, #tpu.memory_space<vmem>> -> memref<1x128x256xf32, #tpu.memory_space<vmem>>
          %dma_start3A_271 = tpu.memref_squeeze %dma_start3A_270 : memref<1x128x256xf32, #tpu.memory_space<vmem>> -> memref<128x256xf32, #tpu.memory_space<vmem>>
          %dma_start3A_272 = arith.constant 0 : i32
          %dma_start3A_273 = tpu.memref_slice %arg4[%mul3A_267, %dma_start3A_272] : memref<73728x256xf32, #tpu.memory_space<hbm>> -> memref<128x256xf32, #tpu.memory_space<hbm>>
          %dma_start3A_274 = tpu.memref_slice %run_scoped3A_9[%rem3A_265] : memref<2x!tpu.dma_semaphore, #tpu.memory_space<semaphore_mem>> -> memref<1x!tpu.dma_semaphore, #tpu.memory_space<semaphore_mem>>
          %dma_start3A_275 = tpu.memref_squeeze %dma_start3A_274 : memref<1x!tpu.dma_semaphore, #tpu.memory_space<semaphore_mem>> -> memref<!tpu.dma_semaphore, #tpu.memory_space<semaphore_mem>>
          %dma_start3A_276 = arith.constant 0 : i32
          %dma_start3A_277 = tpu.memref_slice %arg4[%mul3A_267, %dma_start3A_276] : memref<73728x256xf32, #tpu.memory_space<hbm>> -> memref<128x256xf32, #tpu.memory_space<hbm>>
          %dma_start3A_278 = arith.constant 0 : i32
          %dma_start3A_279 = arith.constant 0 : i32
          %dma_start3A_280 = tpu.memref_slice %run_scoped3A_8[%rem3A_265, %dma_start3A_278, %dma_start3A_279] : memref<2x128x256xf32, #tpu.memory_space<vmem>> -> memref<1x128x256xf32, #tpu.memory_space<vmem>>
          %dma_start3A_281 = tpu.memref_squeeze %dma_start3A_280 : memref<1x128x256xf32, #tpu.memory_space<vmem>> -> memref<128x256xf32, #tpu.memory_space<vmem>>
          tpu.enqueue_dma source(%dma_start3A_281 : memref<128x256xf32, #tpu.memory_space<vmem>>) target(%dma_start3A_277 : memref<128x256xf32, #tpu.memory_space<hbm>>) target_semaphore(%dma_start3A_275 : memref<!tpu.dma_semaphore, #tpu.memory_space<semaphore_mem>>)
          "tpu.trace_stop"() : () -> ()
        } else {
        }
        %and3A_217 = arith.constant true
        %and3A_218 = arith.andi %or3A_213, %and3A_217 : i1
        %add3A_219 = arith.constant 1 : i32
        %add3A_220 = arith.addi %scan3A_124, %add3A_219 : i32
        %select_n3A_221 = arith.select %and3A_218, %add3A_220, %scan3A_124 : i32
        %ne3A_222 = arith.cmpi ne, %add3A_131, %add3A_140 : i32
        %or3A_223 = arith.constant false
        %or3A_224 = arith.ori %or3A_223, %ne3A_222 : i1
        %not3A_225 = arith.constant true
        %not3A_226 = arith.xori %eq3A_128, %not3A_225 : i1
        %and3A_227 = arith.andi %or3A_224, %not3A_226 : i1
        %convert_element_type3A_228 = arith.extui %and3A_227 : i1 to i32
        %cond3A_229 = arith.constant 0 : i32
        %cond3A_230 = arith.cmpi ne, %convert_element_type3A_228, %cond3A_229 : i32
        scf.if %cond3A_230 {
        } else {
        }
        %and3A_231 = arith.constant false
        %and3A_232 = arith.andi %and3A_227, %and3A_231 : i1
        %ne3A_233 = arith.cmpi ne, %add3A_131, %add3A_140 : i32
        %or3A_234 = arith.constant false
        %or3A_235 = arith.ori %or3A_234, %ne3A_233 : i1
        %or3A_236 = arith.constant false
        %or3A_237 = arith.ori %or3A_235, %or3A_236 : i1
        %not3A_238 = arith.constant true
        %not3A_239 = arith.xori %eq3A_128, %not3A_238 : i1
        %and3A_240 = arith.andi %or3A_237, %not3A_239 : i1
        %convert_element_type3A_241 = arith.extui %and3A_240 : i1 to i32
        %cond3A_242 = arith.constant 0 : i32
        %cond3A_243 = arith.cmpi ne, %convert_element_type3A_241, %cond3A_242 : i32
        scf.if %cond3A_243 {
          "tpu.trace_start"() <{level = 10 : i32, message = "ep_wait_out"}> : () -> ()
          %rem3A_264 = arith.constant 2 : i32
          %rem3A_265 = arith.remui %scan3A_125, %rem3A_264 : i32
          %mul3A_266 = arith.constant 128 : i32
          %mul3A_267 = arith.muli %mul3A_266, %add3A_140 : i32
          %dma_wait3A_268 = arith.constant 0 : i32
          %dma_wait3A_269 = arith.constant 0 : i32
          %dma_wait3A_270 = tpu.memref_slice %run_scoped3A_8[%rem3A_265, %dma_wait3A_268, %dma_wait3A_269] : memref<2x128x256xf32, #tpu.memory_space<vmem>> -> memref<1x128x256xf32, #tpu.memory_space<vmem>>
          %dma_wait3A_271 = tpu.memref_squeeze %dma_wait3A_270 : memref<1x128x256xf32, #tpu.memory_space<vmem>> -> memref<128x256xf32, #tpu.memory_space<vmem>>
          %dma_wait3A_272 = arith.constant 0 : i32
          %dma_wait3A_273 = tpu.memref_slice %arg4[%mul3A_267, %dma_wait3A_272] : memref<73728x256xf32, #tpu.memory_space<hbm>> -> memref<128x256xf32, #tpu.memory_space<hbm>>
          %dma_wait3A_274 = tpu.memref_slice %run_scoped3A_9[%rem3A_265] : memref<2x!tpu.dma_semaphore, #tpu.memory_space<semaphore_mem>> -> memref<1x!tpu.dma_semaphore, #tpu.memory_space<semaphore_mem>>
          %dma_wait3A_275 = tpu.memref_squeeze %dma_wait3A_274 : memref<1x!tpu.dma_semaphore, #tpu.memory_space<semaphore_mem>> -> memref<!tpu.dma_semaphore, #tpu.memory_space<semaphore_mem>>
          %dma_wait3A_276 = arith.constant 0 : i32
          %dma_wait3A_277 = tpu.memref_slice %arg4[%mul3A_267, %dma_wait3A_276] : memref<73728x256xf32, #tpu.memory_space<hbm>> -> memref<128x256xf32, #tpu.memory_space<hbm>>
          %dma_wait3A_278 = arith.constant 0 : i32
          %dma_wait3A_279 = arith.constant 0 : i32
          %dma_wait3A_280 = tpu.memref_slice %run_scoped3A_8[%rem3A_265, %dma_wait3A_278, %dma_wait3A_279] : memref<2x128x256xf32, #tpu.memory_space<vmem>> -> memref<1x128x256xf32, #tpu.memory_space<vmem>>
          %dma_wait3A_281 = tpu.memref_squeeze %dma_wait3A_280 : memref<1x128x256xf32, #tpu.memory_space<vmem>> -> memref<128x256xf32, #tpu.memory_space<vmem>>
          tpu.wait_dma2 semaphore(%dma_wait3A_275 : memref<!tpu.dma_semaphore, #tpu.memory_space<semaphore_mem>>) src(%dma_wait3A_281 : memref<128x256xf32, #tpu.memory_space<vmem>>) dst(%dma_wait3A_277 : memref<128x256xf32, #tpu.memory_space<hbm>>)
          "tpu.trace_stop"() : () -> ()
        } else {
        }
        %and3A_244 = arith.constant true
        %and3A_245 = arith.andi %and3A_240, %and3A_244 : i1
        %add3A_246 = arith.constant 1 : i32
        %add3A_247 = arith.addi %scan3A_125, %add3A_246 : i32
        %select_n3A_248 = arith.select %and3A_245, %add3A_247, %scan3A_125 : i32
        %ne3A_249 = arith.cmpi ne, %add3A_131, %add3A_149 : i32
        %or3A_250 = arith.constant false
        %or3A_251 = arith.ori %or3A_250, %ne3A_249 : i1
        %or3A_252 = arith.ori %or3A_251, %eq3A_130 : i1
        %add3A_253 = arith.constant 1 : i32
        %add3A_254 = arith.addi %scan3A_123, %add3A_253 : i32
        %select_n3A_255 = arith.select %or3A_252, %add3A_254, %scan3A_123 : i32
        %add3A_256 = arith.constant 1 : i32
        %add3A_257 = arith.addi %scan3A_126, %add3A_256 : i32
        %select_n3A_258 = arith.constant true
        %select_n3A_259 = arith.select %select_n3A_258, %add3A_257, %scan3A_126 : i32
        %eq3A_260 = arith.constant 18 : i32
        %eq3A_261 = arith.cmpi eq, %select_n3A_259, %eq3A_260 : i32
        %select_n3A_262 = arith.constant 0 : i32
        %select_n3A_263 = arith.select %eq3A_261, %select_n3A_262, %select_n3A_259 : i32
        scf.yield %select_n3A_167, %select_n3A_255, %select_n3A_221, %select_n3A_248, %select_n3A_263 : i32, i32, i32, i32, i32
      }
      %scan3A_68 = arith.constant 18 : i32
      %sub3A = arith.constant 1 : i32
      %sub3A_69 = arith.subi %scan3A_67#4, %sub3A : i32
      %select_n3A_70 = arith.constant true
      %select_n3A_71 = arith.select %select_n3A_70, %sub3A_69, %scan3A_67#4 : i32
      %eq3A_72 = arith.constant -1 : i32
      %eq3A_73 = arith.cmpi eq, %select_n3A_71, %eq3A_72 : i32
      %select_n3A_74 = arith.constant 17 : i32
      %select_n3A_75 = arith.select %eq3A_73, %select_n3A_74, %select_n3A_71 : i32
      %add3A_76 = arith.addi %select_n3A_75, %mul3A_6 : i32
      %sub3A_77 = arith.constant 1 : i32
      %sub3A_78 = arith.subi %select_n3A_75, %sub3A_77 : i32
      %select_n3A_79 = arith.constant true
      %select_n3A_80 = arith.select %select_n3A_79, %sub3A_78, %select_n3A_75 : i32
      %eq3A_81 = arith.constant -1 : i32
      %eq3A_82 = arith.cmpi eq, %select_n3A_80, %eq3A_81 : i32
      %select_n3A_83 = arith.constant 17 : i32
      %select_n3A_84 = arith.select %eq3A_82, %select_n3A_83, %select_n3A_80 : i32
      %add3A_85 = arith.addi %select_n3A_84, %mul3A_6 : i32
      %add3A_86 = arith.constant 1 : i32
      %add3A_87 = arith.addi %select_n3A_75, %add3A_86 : i32
      %select_n3A_88 = arith.constant true
      %select_n3A_89 = arith.select %select_n3A_88, %add3A_87, %select_n3A_75 : i32
      %eq3A_90 = arith.constant 18 : i32
      %eq3A_91 = arith.cmpi eq, %select_n3A_89, %eq3A_90 : i32
      %select_n3A_92 = arith.constant 0 : i32
      %select_n3A_93 = arith.select %eq3A_91, %select_n3A_92, %select_n3A_89 : i32
      %add3A_94 = arith.addi %select_n3A_93, %mul3A_6 : i32
      %add3A_95 = arith.constant 1 : i32
      %add3A_96 = arith.addi %select_n3A_93, %add3A_95 : i32
      %select_n3A_97 = arith.constant true
      %select_n3A_98 = arith.select %select_n3A_97, %add3A_96, %select_n3A_93 : i32
      %eq3A_99 = arith.constant 18 : i32
      %eq3A_100 = arith.cmpi eq, %select_n3A_98, %eq3A_99 : i32
      %select_n3A_101 = arith.constant 0 : i32
      %select_n3A_102 = arith.select %eq3A_100, %select_n3A_101, %select_n3A_98 : i32
      %add3A_103 = arith.addi %select_n3A_102, %mul3A_6 : i32
      "tpu.trace_start"() <{level = 10 : i32, message = "ep_finalize"}> : () -> ()
      %rem3A_104 = arith.constant 2 : i32
      %rem3A_105 = arith.remui %scan3A_67#3, %rem3A_104 : i32
      %mul3A_106 = arith.constant 128 : i32
      %mul3A_107 = arith.muli %mul3A_106, %add3A_76 : i32
      %dma_wait3A = arith.constant 0 : i32
      %dma_wait3A_108 = arith.constant 0 : i32
      %dma_wait3A_109 = tpu.memref_slice %run_scoped3A_8[%rem3A_105, %dma_wait3A, %dma_wait3A_108] : memref<2x128x256xf32, #tpu.memory_space<vmem>> -> memref<1x128x256xf32, #tpu.memory_space<vmem>>
      %dma_wait3A_110 = tpu.memref_squeeze %dma_wait3A_109 : memref<1x128x256xf32, #tpu.memory_space<vmem>> -> memref<128x256xf32, #tpu.memory_space<vmem>>
      %dma_wait3A_111 = arith.constant 0 : i32
      %dma_wait3A_112 = tpu.memref_slice %arg4[%mul3A_107, %dma_wait3A_111] : memref<73728x256xf32, #tpu.memory_space<hbm>> -> memref<128x256xf32, #tpu.memory_space<hbm>>
      %dma_wait3A_113 = tpu.memref_slice %run_scoped3A_9[%rem3A_105] : memref<2x!tpu.dma_semaphore, #tpu.memory_space<semaphore_mem>> -> memref<1x!tpu.dma_semaphore, #tpu.memory_space<semaphore_mem>>
      %dma_wait3A_114 = tpu.memref_squeeze %dma_wait3A_113 : memref<1x!tpu.dma_semaphore, #tpu.memory_space<semaphore_mem>> -> memref<!tpu.dma_semaphore, #tpu.memory_space<semaphore_mem>>
      %dma_wait3A_115 = arith.constant 0 : i32
      %dma_wait3A_116 = tpu.memref_slice %arg4[%mul3A_107, %dma_wait3A_115] : memref<73728x256xf32, #tpu.memory_space<hbm>> -> memref<128x256xf32, #tpu.memory_space<hbm>>
      %dma_wait3A_117 = arith.constant 0 : i32
      %dma_wait3A_118 = arith.constant 0 : i32
      %dma_wait3A_119 = tpu.memref_slice %run_scoped3A_8[%rem3A_105, %dma_wait3A_117, %dma_wait3A_118] : memref<2x128x256xf32, #tpu.memory_space<vmem>> -> memref<1x128x256xf32, #tpu.memory_space<vmem>>
      %dma_wait3A_120 = tpu.memref_squeeze %dma_wait3A_119 : memref<1x128x256xf32, #tpu.memory_space<vmem>> -> memref<128x256xf32, #tpu.memory_space<vmem>>
      tpu.wait_dma2 semaphore(%dma_wait3A_114 : memref<!tpu.dma_semaphore, #tpu.memory_space<semaphore_mem>>) src(%dma_wait3A_120 : memref<128x256xf32, #tpu.memory_space<vmem>>) dst(%dma_wait3A_116 : memref<128x256xf32, #tpu.memory_space<hbm>>)
      "tpu.trace_stop"() : () -> ()
      tpu.yield
    }) : () -> ()
    return
  }
}

module attributes {stable_mosaic.version = 14 : i64} {
  func.func @_tc_body(%arg0: i32, %arg1: memref<128x256xf32, #tpu.memory_space<vmem>>, %arg2: memref<128x2xf32, #tpu.memory_space<vmem>>, %arg3: memref<36x128x256xf32, #tpu.memory_space<vmem>>, %arg4: memref<36x1xf32, #tpu.memory_space<vmem>>, %arg5: memref<36x1xf32, #tpu.memory_space<vmem>>, %arg6: memref<36x1xf32, #tpu.memory_space<vmem>>, %arg7: memref<1x256xf32, #tpu.memory_space<vmem>>, %arg8: memref<1x256xf32, #tpu.memory_space<vmem>>, %arg9: memref<1x256xf32, #tpu.memory_space<vmem>>, %arg10: memref<1x256xf32, #tpu.memory_space<vmem>>, %arg11: memref<1x256xf32, #tpu.memory_space<vmem>>, %arg12: memref<1x256xf32, #tpu.memory_space<vmem>>, %arg13: memref<256x8xf32, #tpu.memory_space<vmem>>, %arg14: memref<8x256xf32, #tpu.memory_space<vmem>>, %arg15: memref<256x256xbf16, #tpu.memory_space<vmem>>, %arg16: memref<1x256xf32, #tpu.memory_space<vmem>>, %arg17: memref<256x256xbf16, #tpu.memory_space<vmem>>, %arg18: memref<1x256xf32, #tpu.memory_space<vmem>>, %arg19: memref<256x256xbf16, #tpu.memory_space<vmem>>, %arg20: memref<1x256xf32, #tpu.memory_space<vmem>>, %arg21: memref<256x256xbf16, #tpu.memory_space<vmem>>, %arg22: memref<1x256xf32, #tpu.memory_space<vmem>>, %arg23: memref<1x256xf32, #tpu.memory_space<vmem>>, %arg24: memref<1x256xf32, #tpu.memory_space<vmem>>, %arg25: memref<1x256xf32, #tpu.memory_space<vmem>>, %arg26: memref<1x256xf32, #tpu.memory_space<vmem>>, %arg27: memref<256x1024xbf16, #tpu.memory_space<vmem>>, %arg28: memref<1x1024xf32, #tpu.memory_space<vmem>>, %arg29: memref<1024x256xbf16, #tpu.memory_space<vmem>>, %arg30: memref<1x256xf32, #tpu.memory_space<vmem>>, %arg31: memref<128x256xf32, #tpu.memory_space<vmem>>) attributes {dimension_semantics = [#tpu.dimension_semantics<arbitrary>], iteration_bounds = array<i64: 16>, scalar_prefetch = 0 : i64, scratch_operands = 0 : i64, tpu.core_type = #tpu.core_type<tc>, window_params = [{transform_indices = @transform_0, window_bounds = array<i64: 128, 256>}, {transform_indices = @transform_1, window_bounds = array<i64: 128, 2>}, {transform_indices = @transform_2, window_bounds = array<i64: 36, 128, 256>}, {pipeline_mode = #tpu.pipeline_mode<synchronous>, transform_indices = @transform_3, window_bounds = array<i64: 36, 1>}, {pipeline_mode = #tpu.pipeline_mode<synchronous>, transform_indices = @transform_4, window_bounds = array<i64: 36, 1>}, {pipeline_mode = #tpu.pipeline_mode<synchronous>, transform_indices = @transform_5, window_bounds = array<i64: 36, 1>}, {pipeline_mode = #tpu.pipeline_mode<synchronous>, transform_indices = @transform_6, window_bounds = array<i64: 1, 256>}, {pipeline_mode = #tpu.pipeline_mode<synchronous>, transform_indices = @transform_7, window_bounds = array<i64: 1, 256>}, {pipeline_mode = #tpu.pipeline_mode<synchronous>, transform_indices = @transform_8, window_bounds = array<i64: 1, 256>}, {pipeline_mode = #tpu.pipeline_mode<synchronous>, transform_indices = @transform_9, window_bounds = array<i64: 1, 256>}, {pipeline_mode = #tpu.pipeline_mode<synchronous>, transform_indices = @transform_10, window_bounds = array<i64: 1, 256>}, {pipeline_mode = #tpu.pipeline_mode<synchronous>, transform_indices = @transform_11, window_bounds = array<i64: 1, 256>}, {pipeline_mode = #tpu.pipeline_mode<synchronous>, transform_indices = @transform_12, window_bounds = array<i64: 256, 8>}, {pipeline_mode = #tpu.pipeline_mode<synchronous>, transform_indices = @transform_13, window_bounds = array<i64: 8, 256>}, {pipeline_mode = #tpu.pipeline_mode<synchronous>, transform_indices = @transform_14, window_bounds = array<i64: 256, 256>}, {pipeline_mode = #tpu.pipeline_mode<synchronous>, transform_indices = @transform_15, window_bounds = array<i64: 1, 256>}, {pipeline_mode = #tpu.pipeline_mode<synchronous>, transform_indices = @transform_16, window_bounds = array<i64: 256, 256>}, {pipeline_mode = #tpu.pipeline_mode<synchronous>, transform_indices = @transform_17, window_bounds = array<i64: 1, 256>}, {pipeline_mode = #tpu.pipeline_mode<synchronous>, transform_indices = @transform_18, window_bounds = array<i64: 256, 256>}, {pipeline_mode = #tpu.pipeline_mode<synchronous>, transform_indices = @transform_19, window_bounds = array<i64: 1, 256>}, {pipeline_mode = #tpu.pipeline_mode<synchronous>, transform_indices = @transform_20, window_bounds = array<i64: 256, 256>}, {pipeline_mode = #tpu.pipeline_mode<synchronous>, transform_indices = @transform_21, window_bounds = array<i64: 1, 256>}, {pipeline_mode = #tpu.pipeline_mode<synchronous>, transform_indices = @transform_22, window_bounds = array<i64: 1, 256>}, {pipeline_mode = #tpu.pipeline_mode<synchronous>, transform_indices = @transform_23, window_bounds = array<i64: 1, 256>}, {pipeline_mode = #tpu.pipeline_mode<synchronous>, transform_indices = @transform_24, window_bounds = array<i64: 1, 256>}, {pipeline_mode = #tpu.pipeline_mode<synchronous>, transform_indices = @transform_25, window_bounds = array<i64: 1, 256>}, {pipeline_mode = #tpu.pipeline_mode<synchronous>, transform_indices = @transform_26, window_bounds = array<i64: 256, 1024>}, {pipeline_mode = #tpu.pipeline_mode<synchronous>, transform_indices = @transform_27, window_bounds = array<i64: 1, 1024>}, {pipeline_mode = #tpu.pipeline_mode<synchronous>, transform_indices = @transform_28, window_bounds = array<i64: 1024, 256>}, {pipeline_mode = #tpu.pipeline_mode<synchronous>, transform_indices = @transform_29, window_bounds = array<i64: 1, 256>}, {transform_indices = @transform_30, window_bounds = array<i64: 128, 256>}]} {
    %get3A = arith.constant 0 : index
    %get3A_0 = arith.constant 0 : index
    %get3A_1 = vector.load %arg1[%get3A, %get3A_0] : memref<128x256xf32, #tpu.memory_space<vmem>>, vector<128x256xf32>
    %reduce_sum3A = arith.constant dense<0.000000e+00> : vector<128xf32>
    %reduce_sum3A_2 = vector.multi_reduction <add>, %get3A_1, %reduce_sum3A [1] : vector<128x256xf32> to vector<128xf32>
    %broadcast_in_dim3A = vector.shape_cast %reduce_sum3A_2 : vector<128xf32> to vector<128x1xf32>
    %div3A = arith.constant 2.560000e+02 : f32
    %div3A_3 = vector.broadcast %div3A : f32 to vector<128x1xf32>
    %div3A_4 = arith.divf %broadcast_in_dim3A, %div3A_3 : vector<128x1xf32>
    %sub3A = vector.broadcast %div3A_4 : vector<128x1xf32> to vector<128x256xf32>
    %sub3A_5 = arith.subf %get3A_1, %sub3A : vector<128x256xf32>
    %mul3A = arith.mulf %sub3A_5, %sub3A_5 : vector<128x256xf32>
    %reduce_sum3A_6 = arith.constant dense<0.000000e+00> : vector<128xf32>
    %reduce_sum3A_7 = vector.multi_reduction <add>, %mul3A, %reduce_sum3A_6 [1] : vector<128x256xf32> to vector<128xf32>
    %broadcast_in_dim3A_8 = vector.shape_cast %reduce_sum3A_7 : vector<128xf32> to vector<128x1xf32>
    %div3A_9 = arith.constant 2.560000e+02 : f32
    %div3A_10 = vector.broadcast %div3A_9 : f32 to vector<128x1xf32>
    %div3A_11 = arith.divf %broadcast_in_dim3A_8, %div3A_10 : vector<128x1xf32>
    %add3A = arith.constant 9.99999974E-6 : f32
    %add3A_12 = vector.broadcast %add3A : f32 to vector<128x1xf32>
    %add3A_13 = arith.addf %div3A_11, %add3A_12 : vector<128x1xf32>
    %rsqrt3A = math.rsqrt %add3A_13 : vector<128x1xf32>
    %mul3A_14 = vector.broadcast %rsqrt3A : vector<128x1xf32> to vector<128x256xf32>
    %mul3A_15 = arith.mulf %sub3A_5, %mul3A_14 : vector<128x256xf32>
    %get3A_16 = arith.constant 0 : index
    %get3A_17 = arith.constant 0 : index
    %get3A_18 = vector.load %arg23[%get3A_16, %get3A_17] : memref<1x256xf32, #tpu.memory_space<vmem>>, vector<1x256xf32>
    %mul3A_19 = vector.broadcast %get3A_18 : vector<1x256xf32> to vector<128x256xf32>
    %mul3A_20 = arith.mulf %mul3A_15, %mul3A_19 : vector<128x256xf32>
    %get3A_21 = arith.constant 0 : index
    %get3A_22 = arith.constant 0 : index
    %get3A_23 = vector.load %arg24[%get3A_21, %get3A_22] : memref<1x256xf32, #tpu.memory_space<vmem>>, vector<1x256xf32>
    %add3A_24 = vector.broadcast %get3A_23 : vector<1x256xf32> to vector<128x256xf32>
    %add3A_25 = arith.addf %mul3A_20, %add3A_24 : vector<128x256xf32>
    %get3A_26 = arith.constant 0 : index
    %get3A_27 = arith.constant 0 : index
    %get3A_28 = vector.load %arg11[%get3A_26, %get3A_27] : memref<1x256xf32, #tpu.memory_space<vmem>>, vector<1x256xf32>
    %get3A_29 = arith.constant 0 : index
    %get3A_30 = arith.constant 0 : index
    %get3A_31 = vector.load %arg12[%get3A_29, %get3A_30] : memref<1x256xf32, #tpu.memory_space<vmem>>, vector<1x256xf32>
    %get3A_32 = arith.constant 0 : index
    %get3A_33 = arith.constant 0 : index
    %get3A_34 = vector.load %arg7[%get3A_32, %get3A_33] : memref<1x256xf32, #tpu.memory_space<vmem>>, vector<1x256xf32>
    %get3A_35 = arith.constant 0 : index
    %get3A_36 = arith.constant 0 : index
    %get3A_37 = vector.load %arg8[%get3A_35, %get3A_36] : memref<1x256xf32, #tpu.memory_space<vmem>>, vector<1x256xf32>
    %get3A_38 = arith.constant 0 : index
    %get3A_39 = arith.constant 0 : index
    %get3A_40 = vector.load %arg9[%get3A_38, %get3A_39] : memref<1x256xf32, #tpu.memory_space<vmem>>, vector<1x256xf32>
    %get3A_41 = arith.constant 0 : index
    %get3A_42 = arith.constant 0 : index
    %get3A_43 = vector.load %arg2[%get3A_41, %get3A_42] : memref<128x2xf32, #tpu.memory_space<vmem>>, vector<128x1xf32>
    %get3A_44 = arith.constant 0 : index
    %get3A_45 = arith.constant 1 : index
    %get3A_46 = vector.load %arg2[%get3A_44, %get3A_45] : memref<128x2xf32, #tpu.memory_space<vmem>>, vector<128x1xf32>
    %convert_element_type3A = arith.truncf %add3A_25 : vector<128x256xf32> to vector<128x256xbf16>
    %get3A_47 = arith.constant 0 : index
    %get3A_48 = arith.constant 0 : index
    %get3A_49 = vector.load %arg15[%get3A_47, %get3A_48] : memref<256x256xbf16, #tpu.memory_space<vmem>>, vector<256x256xbf16>
    %dot_general3A = arith.constant dense<0.000000e+00> : vector<128x256xf32>
    %dot_general3A_50 = tpu.matmul %convert_element_type3A, %get3A_49, %dot_general3A {dimension_numbers = #tpu.dot_dimension_numbers<[1], [0], [0], [1], [0, 0, 1, 1], [], []>, transpose_lhs_hint = false} : vector<128x256xbf16>, vector<256x256xbf16>, vector<128x256xf32> -> vector<128x256xf32>
    %get3A_51 = arith.constant 0 : index
    %get3A_52 = arith.constant 0 : index
    %get3A_53 = vector.load %arg16[%get3A_51, %get3A_52] : memref<1x256xf32, #tpu.memory_space<vmem>>, vector<1x256xf32>
    %add3A_54 = vector.broadcast %get3A_53 : vector<1x256xf32> to vector<128x256xf32>
    %add3A_55 = arith.addf %dot_general3A_50, %add3A_54 : vector<128x256xf32>
    %mul3A_56 = vector.broadcast %get3A_43 : vector<128x1xf32> to vector<128x256xf32>
    %mul3A_57 = vector.broadcast %get3A_34 : vector<1x256xf32> to vector<128x256xf32>
    %mul3A_58 = arith.mulf %mul3A_56, %mul3A_57 : vector<128x256xf32>
    %mul3A_59 = vector.broadcast %get3A_46 : vector<128x1xf32> to vector<128x256xf32>
    %mul3A_60 = vector.broadcast %get3A_37 : vector<1x256xf32> to vector<128x256xf32>
    %mul3A_61 = arith.mulf %mul3A_59, %mul3A_60 : vector<128x256xf32>
    %add3A_62 = arith.addf %mul3A_58, %mul3A_61 : vector<128x256xf32>
    %get3A_63 = arith.constant 0 : index
    %get3A_64 = arith.constant 0 : index
    %get3A_65 = vector.load %arg10[%get3A_63, %get3A_64] : memref<1x256xf32, #tpu.memory_space<vmem>>, vector<1x256xf32>
    %add3A_66 = vector.broadcast %get3A_65 : vector<1x256xf32> to vector<128x256xf32>
    %add3A_67 = arith.addf %add3A_62, %add3A_66 : vector<128x256xf32>
    %mul3A_68 = arith.constant 0.318309873 : f32
    %mul3A_69 = vector.broadcast %mul3A_68 : f32 to vector<128x256xf32>
    %mul3A_70 = arith.mulf %add3A_67, %mul3A_69 : vector<128x256xf32>
    %add3A_71 = arith.constant 0x4B400000 : f32
    %add3A_72 = vector.broadcast %add3A_71 : f32 to vector<128x256xf32>
    %add3A_73 = arith.addf %mul3A_70, %add3A_72 : vector<128x256xf32>
    %sub3A_74 = arith.constant 0x4B400000 : f32
    %sub3A_75 = vector.broadcast %sub3A_74 : f32 to vector<128x256xf32>
    %sub3A_76 = arith.subf %add3A_73, %sub3A_75 : vector<128x256xf32>
    %sub3A_77 = arith.subf %mul3A_70, %sub3A_76 : vector<128x256xf32>
    %mul3A_78 = arith.constant 3.14159274 : f32
    %mul3A_79 = vector.broadcast %mul3A_78 : f32 to vector<128x256xf32>
    %mul3A_80 = arith.mulf %sub3A_77, %mul3A_79 : vector<128x256xf32>
    %mul3A_81 = arith.mulf %mul3A_80, %mul3A_80 : vector<128x256xf32>
    %mul3A_82 = arith.constant 2.75573188E-6 : f32
    %mul3A_83 = vector.broadcast %mul3A_82 : f32 to vector<128x256xf32>
    %mul3A_84 = arith.mulf %mul3A_81, %mul3A_83 : vector<128x256xf32>
    %add3A_85 = arith.constant -1.98412701E-4 : f32
    %add3A_86 = vector.broadcast %add3A_85 : f32 to vector<128x256xf32>
    %add3A_87 = arith.addf %add3A_86, %mul3A_84 : vector<128x256xf32>
    %mul3A_88 = arith.mulf %mul3A_81, %add3A_87 : vector<128x256xf32>
    %add3A_89 = arith.constant 0.00833333377 : f32
    %add3A_90 = vector.broadcast %add3A_89 : f32 to vector<128x256xf32>
    %add3A_91 = arith.addf %add3A_90, %mul3A_88 : vector<128x256xf32>
    %mul3A_92 = arith.mulf %mul3A_81, %add3A_91 : vector<128x256xf32>
    %add3A_93 = arith.constant -0.166666672 : f32
    %add3A_94 = vector.broadcast %add3A_93 : f32 to vector<128x256xf32>
    %add3A_95 = arith.addf %add3A_94, %mul3A_92 : vector<128x256xf32>
    %mul3A_96 = arith.mulf %mul3A_81, %add3A_95 : vector<128x256xf32>
    %add3A_97 = arith.constant 1.000000e+00 : f32
    %add3A_98 = vector.broadcast %add3A_97 : f32 to vector<128x256xf32>
    %add3A_99 = arith.addf %add3A_98, %mul3A_96 : vector<128x256xf32>
    %mul3A_100 = arith.mulf %mul3A_80, %add3A_99 : vector<128x256xf32>
    %mul3A_101 = arith.constant -2.755732E-7 : f32
    %mul3A_102 = vector.broadcast %mul3A_101 : f32 to vector<128x256xf32>
    %mul3A_103 = arith.mulf %mul3A_81, %mul3A_102 : vector<128x256xf32>
    %add3A_104 = arith.constant 2.48015876E-5 : f32
    %add3A_105 = vector.broadcast %add3A_104 : f32 to vector<128x256xf32>
    %add3A_106 = arith.addf %add3A_105, %mul3A_103 : vector<128x256xf32>
    %mul3A_107 = arith.mulf %mul3A_81, %add3A_106 : vector<128x256xf32>
    %add3A_108 = arith.constant -0.00138888892 : f32
    %add3A_109 = vector.broadcast %add3A_108 : f32 to vector<128x256xf32>
    %add3A_110 = arith.addf %add3A_109, %mul3A_107 : vector<128x256xf32>
    %mul3A_111 = arith.mulf %mul3A_81, %add3A_110 : vector<128x256xf32>
    %add3A_112 = arith.constant 0.0416666679 : f32
    %add3A_113 = vector.broadcast %add3A_112 : f32 to vector<128x256xf32>
    %add3A_114 = arith.addf %add3A_113, %mul3A_111 : vector<128x256xf32>
    %mul3A_115 = arith.mulf %mul3A_81, %add3A_114 : vector<128x256xf32>
    %add3A_116 = arith.constant -5.000000e-01 : f32
    %add3A_117 = vector.broadcast %add3A_116 : f32 to vector<128x256xf32>
    %add3A_118 = arith.addf %add3A_117, %mul3A_115 : vector<128x256xf32>
    %mul3A_119 = arith.mulf %mul3A_81, %add3A_118 : vector<128x256xf32>
    %add3A_120 = arith.constant 1.000000e+00 : f32
    %add3A_121 = vector.broadcast %add3A_120 : f32 to vector<128x256xf32>
    %add3A_122 = arith.addf %add3A_121, %mul3A_119 : vector<128x256xf32>
    %bitcast_convert_type3A = tpu.bitcast %add3A_73 : vector<128x256xf32> -> vector<128x256xi32>
    %and3A = arith.constant 1 : i32
    %and3A_123 = vector.broadcast %and3A : i32 to vector<128x256xi32>
    %and3A_124 = arith.andi %bitcast_convert_type3A, %and3A_123 : vector<128x256xi32>
    %convert_element_type3A_125 = arith.sitofp %and3A_124 : vector<128x256xi32> to vector<128x256xf32>
    %mul3A_126 = arith.constant 2.000000e+00 : f32
    %mul3A_127 = vector.broadcast %mul3A_126 : f32 to vector<128x256xf32>
    %mul3A_128 = arith.mulf %mul3A_127, %convert_element_type3A_125 : vector<128x256xf32>
    %sub3A_129 = arith.constant 1.000000e+00 : f32
    %sub3A_130 = vector.broadcast %sub3A_129 : f32 to vector<128x256xf32>
    %sub3A_131 = arith.subf %sub3A_130, %mul3A_128 : vector<128x256xf32>
    %mul3A_132 = arith.mulf %mul3A_100, %sub3A_131 : vector<128x256xf32>
    %mul3A_133 = arith.mulf %add3A_122, %sub3A_131 : vector<128x256xf32>
    %slice3A = vector.extract_strided_slice %add3A_55 {offsets = [0, 240], sizes = [128, 16], strides = [1, 1]} : vector<128x256xf32> to vector<128x16xf32>
    %slice3A_134 = vector.extract_strided_slice %add3A_55 {offsets = [0, 0], sizes = [128, 240], strides = [1, 1]} : vector<128x256xf32> to vector<128x240xf32>
    %concatenate3A = tpu.concatenate %slice3A, %slice3A_134 in 1 : vector<128x16xf32>, vector<128x240xf32> -> vector<128x256xf32>
    %mul3A_135 = vector.broadcast %get3A_31 : vector<1x256xf32> to vector<128x256xf32>
    %mul3A_136 = arith.mulf %concatenate3A, %mul3A_135 : vector<128x256xf32>
    %slice3A_137 = vector.extract_strided_slice %add3A_55 {offsets = [0, 16], sizes = [128, 240], strides = [1, 1]} : vector<128x256xf32> to vector<128x240xf32>
    %slice3A_138 = vector.extract_strided_slice %add3A_55 {offsets = [0, 0], sizes = [128, 16], strides = [1, 1]} : vector<128x256xf32> to vector<128x16xf32>
    %concatenate3A_139 = tpu.concatenate %slice3A_137, %slice3A_138 in 1 : vector<128x240xf32>, vector<128x16xf32> -> vector<128x256xf32>
    %mul3A_140 = vector.broadcast %get3A_28 : vector<1x256xf32> to vector<128x256xf32>
    %mul3A_141 = arith.mulf %concatenate3A_139, %mul3A_140 : vector<128x256xf32>
    %sub3A_142 = arith.subf %mul3A_136, %mul3A_141 : vector<128x256xf32>
    %mul3A_143 = arith.mulf %add3A_55, %mul3A_133 : vector<128x256xf32>
    %mul3A_144 = arith.mulf %sub3A_142, %mul3A_132 : vector<128x256xf32>
    %add3A_145 = arith.addf %mul3A_143, %mul3A_144 : vector<128x256xf32>
    %get3A_146 = arith.constant 0 : index
    %get3A_147 = arith.constant 0 : index
    %get3A_148 = vector.load %arg13[%get3A_146, %get3A_147] : memref<256x8xf32, #tpu.memory_space<vmem>>, vector<256x8xf32>
    %get3A_149 = arith.constant 0 : index
    %get3A_150 = arith.constant 0 : index
    %get3A_151 = vector.load %arg14[%get3A_149, %get3A_150] : memref<8x256xf32, #tpu.memory_space<vmem>>, vector<8x256xf32>
    %get3A_152 = arith.constant 0 : index
    %get3A_153 = arith.constant 0 : index
    %get3A_154 = arith.constant 0 : index
    %get3A_155 = vector.load %arg3[%get3A_152, %get3A_153, %get3A_154] : memref<36x128x256xf32, #tpu.memory_space<vmem>>, vector<36x128x256xf32>
    %reshape3A = vector.shape_cast %get3A_155 : vector<36x128x256xf32> to vector<4608x256xf32>
    %convert_element_type3A_156 = arith.truncf %reshape3A : vector<4608x256xf32> to vector<4608x256xbf16>
    %get3A_157 = arith.constant 0 : index
    %get3A_158 = arith.constant 0 : index
    %get3A_159 = vector.load %arg17[%get3A_157, %get3A_158] : memref<256x256xbf16, #tpu.memory_space<vmem>>, vector<256x256xbf16>
    %dot_general3A_160 = arith.constant dense<0.000000e+00> : vector<4608x256xf32>
    %dot_general3A_161 = tpu.matmul %convert_element_type3A_156, %get3A_159, %dot_general3A_160 {dimension_numbers = #tpu.dot_dimension_numbers<[1], [0], [0], [1], [0, 0, 1, 1], [], []>, transpose_lhs_hint = false} : vector<4608x256xbf16>, vector<256x256xbf16>, vector<4608x256xf32> -> vector<4608x256xf32>
    %get3A_162 = arith.constant 0 : index
    %get3A_163 = arith.constant 0 : index
    %get3A_164 = vector.load %arg18[%get3A_162, %get3A_163] : memref<1x256xf32, #tpu.memory_space<vmem>>, vector<1x256xf32>
    %add3A_165 = vector.broadcast %get3A_164 : vector<1x256xf32> to vector<4608x256xf32>
    %add3A_166 = arith.addf %dot_general3A_161, %add3A_165 : vector<4608x256xf32>
    %get3A_167 = arith.constant 0 : index
    %get3A_168 = arith.constant 0 : index
    %get3A_169 = vector.load %arg19[%get3A_167, %get3A_168] : memref<256x256xbf16, #tpu.memory_space<vmem>>, vector<256x256xbf16>
    %dot_general3A_170 = arith.constant dense<0.000000e+00> : vector<4608x256xf32>
    %dot_general3A_171 = tpu.matmul %convert_element_type3A_156, %get3A_169, %dot_general3A_170 {dimension_numbers = #tpu.dot_dimension_numbers<[1], [0], [0], [1], [0, 0, 1, 1], [], []>, transpose_lhs_hint = false} : vector<4608x256xbf16>, vector<256x256xbf16>, vector<4608x256xf32> -> vector<4608x256xf32>
    %get3A_172 = arith.constant 0 : index
    %get3A_173 = arith.constant 0 : index
    %get3A_174 = vector.load %arg20[%get3A_172, %get3A_173] : memref<1x256xf32, #tpu.memory_space<vmem>>, vector<1x256xf32>
    %add3A_175 = vector.broadcast %get3A_174 : vector<1x256xf32> to vector<4608x256xf32>
    %add3A_176 = arith.addf %dot_general3A_171, %add3A_175 : vector<4608x256xf32>
    %get3A_177 = arith.constant 0 : index
    %get3A_178 = arith.constant 0 : index
    %get3A_179 = vector.load %arg4[%get3A_177, %get3A_178] : memref<36x1xf32, #tpu.memory_space<vmem>>, vector<36x1xf32>
    %reshape3A_180 = vector.shape_cast %get3A_179 : vector<36x1xf32> to vector<36x1x1xf32>
    %get3A_181 = arith.constant 0 : index
    %get3A_182 = arith.constant 0 : index
    %get3A_183 = vector.load %arg5[%get3A_181, %get3A_182] : memref<36x1xf32, #tpu.memory_space<vmem>>, vector<36x1xf32>
    %reshape3A_184 = vector.shape_cast %get3A_183 : vector<36x1xf32> to vector<36x1x1xf32>
    %get3A_185 = arith.constant 0 : index
    %get3A_186 = arith.constant 0 : index
    %get3A_187 = vector.load %arg6[%get3A_185, %get3A_186] : memref<36x1xf32, #tpu.memory_space<vmem>>, vector<36x1xf32>
    %reshape3A_188 = vector.shape_cast %get3A_187 : vector<36x1xf32> to vector<36x1x1xf32>
    %floor3A = math.floor %get3A_43 : vector<128x1xf32>
    %broadcast_in_dim3A_189 = vector.shape_cast %floor3A : vector<128x1xf32> to vector<1x128x1xf32>
    %floor3A_190 = math.floor %get3A_46 : vector<128x1xf32>
    %broadcast_in_dim3A_191 = vector.shape_cast %floor3A_190 : vector<128x1xf32> to vector<1x128x1xf32>
    %add3A_192 = vector.broadcast %broadcast_in_dim3A_189 : vector<1x128x1xf32> to vector<36x128x1xf32>
    %add3A_193 = vector.broadcast %reshape3A_180 : vector<36x1x1xf32> to vector<36x128x1xf32>
    %add3A_194 = arith.addf %add3A_192, %add3A_193 : vector<36x128x1xf32>
    %jit3A = arith.constant 0.000000e+00 : f32
    %jit3A_195 = arith.constant 1.270000e+02 : f32
    %max3A = vector.broadcast %jit3A : f32 to vector<36x128x1xf32>
    %max3A_196 = arith.maximumf %max3A, %add3A_194 : vector<36x128x1xf32>
    %min3A = vector.broadcast %jit3A_195 : f32 to vector<36x128x1xf32>
    %min3A_197 = arith.minimumf %min3A, %max3A_196 : vector<36x128x1xf32>
    %add3A_198 = vector.broadcast %broadcast_in_dim3A_191 : vector<1x128x1xf32> to vector<36x128x1xf32>
    %add3A_199 = vector.broadcast %reshape3A_184 : vector<36x1x1xf32> to vector<36x128x1xf32>
    %add3A_200 = arith.addf %add3A_198, %add3A_199 : vector<36x128x1xf32>
    %jit3A_201 = arith.constant 0.000000e+00 : f32
    %jit3A_202 = arith.constant 1.270000e+02 : f32
    %max3A_203 = vector.broadcast %jit3A_201 : f32 to vector<36x128x1xf32>
    %max3A_204 = arith.maximumf %max3A_203, %add3A_200 : vector<36x128x1xf32>
    %min3A_205 = vector.broadcast %jit3A_202 : f32 to vector<36x128x1xf32>
    %min3A_206 = arith.minimumf %min3A_205, %max3A_204 : vector<36x128x1xf32>
    %broadcast_in_dim3A_207 = vector.shape_cast %get3A_34 : vector<1x256xf32> to vector<1x1x256xf32>
    %mul3A_208 = vector.broadcast %min3A_197 : vector<36x128x1xf32> to vector<36x128x256xf32>
    %mul3A_209 = vector.broadcast %broadcast_in_dim3A_207 : vector<1x1x256xf32> to vector<36x128x256xf32>
    %mul3A_210 = arith.mulf %mul3A_208, %mul3A_209 : vector<36x128x256xf32>
    %broadcast_in_dim3A_211 = vector.shape_cast %get3A_37 : vector<1x256xf32> to vector<1x1x256xf32>
    %mul3A_212 = vector.broadcast %min3A_206 : vector<36x128x1xf32> to vector<36x128x256xf32>
    %mul3A_213 = vector.broadcast %broadcast_in_dim3A_211 : vector<1x1x256xf32> to vector<36x128x256xf32>
    %mul3A_214 = arith.mulf %mul3A_212, %mul3A_213 : vector<36x128x256xf32>
    %add3A_215 = arith.addf %mul3A_210, %mul3A_214 : vector<36x128x256xf32>
    %broadcast_in_dim3A_216 = vector.shape_cast %get3A_40 : vector<1x256xf32> to vector<1x1x256xf32>
    %mul3A_217 = vector.broadcast %reshape3A_188 : vector<36x1x1xf32> to vector<36x1x256xf32>
    %mul3A_218 = vector.broadcast %broadcast_in_dim3A_216 : vector<1x1x256xf32> to vector<36x1x256xf32>
    %mul3A_219 = arith.mulf %mul3A_217, %mul3A_218 : vector<36x1x256xf32>
    %add3A_220 = vector.broadcast %mul3A_219 : vector<36x1x256xf32> to vector<36x128x256xf32>
    %add3A_221 = arith.addf %add3A_215, %add3A_220 : vector<36x128x256xf32>
    %reshape3A_222 = vector.shape_cast %add3A_221 : vector<36x128x256xf32> to vector<4608x256xf32>
    %mul3A_223 = arith.constant 0.318309873 : f32
    %mul3A_224 = vector.broadcast %mul3A_223 : f32 to vector<4608x256xf32>
    %mul3A_225 = arith.mulf %reshape3A_222, %mul3A_224 : vector<4608x256xf32>
    %add3A_226 = arith.constant 0x4B400000 : f32
    %add3A_227 = vector.broadcast %add3A_226 : f32 to vector<4608x256xf32>
    %add3A_228 = arith.addf %mul3A_225, %add3A_227 : vector<4608x256xf32>
    %sub3A_229 = arith.constant 0x4B400000 : f32
    %sub3A_230 = vector.broadcast %sub3A_229 : f32 to vector<4608x256xf32>
    %sub3A_231 = arith.subf %add3A_228, %sub3A_230 : vector<4608x256xf32>
    %sub3A_232 = arith.subf %mul3A_225, %sub3A_231 : vector<4608x256xf32>
    %mul3A_233 = arith.constant 3.14159274 : f32
    %mul3A_234 = vector.broadcast %mul3A_233 : f32 to vector<4608x256xf32>
    %mul3A_235 = arith.mulf %sub3A_232, %mul3A_234 : vector<4608x256xf32>
    %mul3A_236 = arith.mulf %mul3A_235, %mul3A_235 : vector<4608x256xf32>
    %mul3A_237 = arith.constant 2.75573188E-6 : f32
    %mul3A_238 = vector.broadcast %mul3A_237 : f32 to vector<4608x256xf32>
    %mul3A_239 = arith.mulf %mul3A_236, %mul3A_238 : vector<4608x256xf32>
    %add3A_240 = arith.constant -1.98412701E-4 : f32
    %add3A_241 = vector.broadcast %add3A_240 : f32 to vector<4608x256xf32>
    %add3A_242 = arith.addf %add3A_241, %mul3A_239 : vector<4608x256xf32>
    %mul3A_243 = arith.mulf %mul3A_236, %add3A_242 : vector<4608x256xf32>
    %add3A_244 = arith.constant 0.00833333377 : f32
    %add3A_245 = vector.broadcast %add3A_244 : f32 to vector<4608x256xf32>
    %add3A_246 = arith.addf %add3A_245, %mul3A_243 : vector<4608x256xf32>
    %mul3A_247 = arith.mulf %mul3A_236, %add3A_246 : vector<4608x256xf32>
    %add3A_248 = arith.constant -0.166666672 : f32
    %add3A_249 = vector.broadcast %add3A_248 : f32 to vector<4608x256xf32>
    %add3A_250 = arith.addf %add3A_249, %mul3A_247 : vector<4608x256xf32>
    %mul3A_251 = arith.mulf %mul3A_236, %add3A_250 : vector<4608x256xf32>
    %add3A_252 = arith.constant 1.000000e+00 : f32
    %add3A_253 = vector.broadcast %add3A_252 : f32 to vector<4608x256xf32>
    %add3A_254 = arith.addf %add3A_253, %mul3A_251 : vector<4608x256xf32>
    %mul3A_255 = arith.mulf %mul3A_235, %add3A_254 : vector<4608x256xf32>
    %mul3A_256 = arith.constant -2.755732E-7 : f32
    %mul3A_257 = vector.broadcast %mul3A_256 : f32 to vector<4608x256xf32>
    %mul3A_258 = arith.mulf %mul3A_236, %mul3A_257 : vector<4608x256xf32>
    %add3A_259 = arith.constant 2.48015876E-5 : f32
    %add3A_260 = vector.broadcast %add3A_259 : f32 to vector<4608x256xf32>
    %add3A_261 = arith.addf %add3A_260, %mul3A_258 : vector<4608x256xf32>
    %mul3A_262 = arith.mulf %mul3A_236, %add3A_261 : vector<4608x256xf32>
    %add3A_263 = arith.constant -0.00138888892 : f32
    %add3A_264 = vector.broadcast %add3A_263 : f32 to vector<4608x256xf32>
    %add3A_265 = arith.addf %add3A_264, %mul3A_262 : vector<4608x256xf32>
    %mul3A_266 = arith.mulf %mul3A_236, %add3A_265 : vector<4608x256xf32>
    %add3A_267 = arith.constant 0.0416666679 : f32
    %add3A_268 = vector.broadcast %add3A_267 : f32 to vector<4608x256xf32>
    %add3A_269 = arith.addf %add3A_268, %mul3A_266 : vector<4608x256xf32>
    %mul3A_270 = arith.mulf %mul3A_236, %add3A_269 : vector<4608x256xf32>
    %add3A_271 = arith.constant -5.000000e-01 : f32
    %add3A_272 = vector.broadcast %add3A_271 : f32 to vector<4608x256xf32>
    %add3A_273 = arith.addf %add3A_272, %mul3A_270 : vector<4608x256xf32>
    %mul3A_274 = arith.mulf %mul3A_236, %add3A_273 : vector<4608x256xf32>
    %add3A_275 = arith.constant 1.000000e+00 : f32
    %add3A_276 = vector.broadcast %add3A_275 : f32 to vector<4608x256xf32>
    %add3A_277 = arith.addf %add3A_276, %mul3A_274 : vector<4608x256xf32>
    %bitcast_convert_type3A_278 = tpu.bitcast %add3A_228 : vector<4608x256xf32> -> vector<4608x256xi32>
    %and3A_279 = arith.constant 1 : i32
    %and3A_280 = vector.broadcast %and3A_279 : i32 to vector<4608x256xi32>
    %and3A_281 = arith.andi %bitcast_convert_type3A_278, %and3A_280 : vector<4608x256xi32>
    %convert_element_type3A_282 = arith.sitofp %and3A_281 : vector<4608x256xi32> to vector<4608x256xf32>
    %mul3A_283 = arith.constant 2.000000e+00 : f32
    %mul3A_284 = vector.broadcast %mul3A_283 : f32 to vector<4608x256xf32>
    %mul3A_285 = arith.mulf %mul3A_284, %convert_element_type3A_282 : vector<4608x256xf32>
    %sub3A_286 = arith.constant 1.000000e+00 : f32
    %sub3A_287 = vector.broadcast %sub3A_286 : f32 to vector<4608x256xf32>
    %sub3A_288 = arith.subf %sub3A_287, %mul3A_285 : vector<4608x256xf32>
    %mul3A_289 = arith.mulf %mul3A_255, %sub3A_288 : vector<4608x256xf32>
    %mul3A_290 = arith.mulf %add3A_277, %sub3A_288 : vector<4608x256xf32>
    %slice3A_291 = vector.extract_strided_slice %add3A_166 {offsets = [0, 240], sizes = [4608, 16], strides = [1, 1]} : vector<4608x256xf32> to vector<4608x16xf32>
    %slice3A_292 = vector.extract_strided_slice %add3A_166 {offsets = [0, 0], sizes = [4608, 240], strides = [1, 1]} : vector<4608x256xf32> to vector<4608x240xf32>
    %concatenate3A_293 = tpu.concatenate %slice3A_291, %slice3A_292 in 1 : vector<4608x16xf32>, vector<4608x240xf32> -> vector<4608x256xf32>
    %mul3A_294 = vector.broadcast %get3A_31 : vector<1x256xf32> to vector<4608x256xf32>
    %mul3A_295 = arith.mulf %concatenate3A_293, %mul3A_294 : vector<4608x256xf32>
    %slice3A_296 = vector.extract_strided_slice %add3A_166 {offsets = [0, 16], sizes = [4608, 240], strides = [1, 1]} : vector<4608x256xf32> to vector<4608x240xf32>
    %slice3A_297 = vector.extract_strided_slice %add3A_166 {offsets = [0, 0], sizes = [4608, 16], strides = [1, 1]} : vector<4608x256xf32> to vector<4608x16xf32>
    %concatenate3A_298 = tpu.concatenate %slice3A_296, %slice3A_297 in 1 : vector<4608x240xf32>, vector<4608x16xf32> -> vector<4608x256xf32>
    %mul3A_299 = vector.broadcast %get3A_28 : vector<1x256xf32> to vector<4608x256xf32>
    %mul3A_300 = arith.mulf %concatenate3A_298, %mul3A_299 : vector<4608x256xf32>
    %sub3A_301 = arith.subf %mul3A_295, %mul3A_300 : vector<4608x256xf32>
    %mul3A_302 = arith.mulf %add3A_166, %mul3A_290 : vector<4608x256xf32>
    %mul3A_303 = arith.mulf %sub3A_301, %mul3A_289 : vector<4608x256xf32>
    %add3A_304 = arith.addf %mul3A_302, %mul3A_303 : vector<4608x256xf32>
    %broadcast_in_dim3A_305 = vector.shape_cast %add3A_145 : vector<128x256xf32> to vector<1x128x256xf32>
    %reshape3A_306 = vector.shape_cast %add3A_304 : vector<4608x256xf32> to vector<36x128x256xf32>
    %mul3A_307 = vector.broadcast %broadcast_in_dim3A_305 : vector<1x128x256xf32> to vector<36x128x256xf32>
    %mul3A_308 = arith.mulf %mul3A_307, %reshape3A_306 : vector<36x128x256xf32>
    %reshape3A_309 = vector.shape_cast %mul3A_308 : vector<36x128x256xf32> to vector<4608x256xf32>
    %dot_general3A_310 = arith.constant dense<0.000000e+00> : vector<4608x8xf32>
    %dot_general3A_311 = tpu.matmul %reshape3A_309, %get3A_148, %dot_general3A_310 {dimension_numbers = #tpu.dot_dimension_numbers<[1], [0], [0], [1], [0, 0, 1, 1], [], []>, transpose_lhs_hint = false} : vector<4608x256xf32>, vector<256x8xf32>, vector<4608x8xf32> -> vector<4608x8xf32>
    %mul3A_312 = arith.constant 0.176776692 : f32
    %mul3A_313 = vector.broadcast %mul3A_312 : f32 to vector<4608x8xf32>
    %mul3A_314 = arith.mulf %dot_general3A_311, %mul3A_313 : vector<4608x8xf32>
    %reshape3A_315 = vector.shape_cast %mul3A_314 : vector<4608x8xf32> to vector<36x128x8xf32>
    %reduce_max3A = arith.constant dense<0xFF800000> : vector<128x8xf32>
    %reduce_max3A_316 = vector.multi_reduction <maximumf>, %reshape3A_315, %reduce_max3A [0] : vector<36x128x8xf32> to vector<128x8xf32>
    %broadcast_in_dim3A_317 = vector.shape_cast %reduce_max3A_316 : vector<128x8xf32> to vector<1x128x8xf32>
    %sub3A_318 = vector.broadcast %broadcast_in_dim3A_317 : vector<1x128x8xf32> to vector<36x128x8xf32>
    %sub3A_319 = arith.subf %reshape3A_315, %sub3A_318 : vector<36x128x8xf32>
    %exp3A = math.exp %sub3A_319 : vector<36x128x8xf32>
    %reduce_sum3A_320 = arith.constant dense<0.000000e+00> : vector<128x8xf32>
    %reduce_sum3A_321 = vector.multi_reduction <add>, %exp3A, %reduce_sum3A_320 [0] : vector<36x128x8xf32> to vector<128x8xf32>
    %div3A_322 = arith.constant 1.000000e+00 : f32
    %div3A_323 = vector.broadcast %div3A_322 : f32 to vector<128x8xf32>
    %div3A_324 = arith.divf %div3A_323, %reduce_sum3A_321 : vector<128x8xf32>
    %broadcast_in_dim3A_325 = vector.shape_cast %div3A_324 : vector<128x8xf32> to vector<1x128x8xf32>
    %mul3A_326 = vector.broadcast %broadcast_in_dim3A_325 : vector<1x128x8xf32> to vector<36x128x8xf32>
    %mul3A_327 = arith.mulf %exp3A, %mul3A_326 : vector<36x128x8xf32>
    %reshape3A_328 = vector.shape_cast %mul3A_327 : vector<36x128x8xf32> to vector<4608x8xf32>
    %dot_general3A_329 = arith.constant dense<0.000000e+00> : vector<4608x256xf32>
    %dot_general3A_330 = tpu.matmul %reshape3A_328, %get3A_151, %dot_general3A_329 {dimension_numbers = #tpu.dot_dimension_numbers<[1], [0], [0], [1], [0, 0, 1, 1], [], []>, transpose_lhs_hint = false} : vector<4608x8xf32>, vector<8x256xf32>, vector<4608x256xf32> -> vector<4608x256xf32>
    %reshape3A_331 = vector.shape_cast %dot_general3A_330 : vector<4608x256xf32> to vector<36x128x256xf32>
    %reshape3A_332 = vector.shape_cast %add3A_176 : vector<4608x256xf32> to vector<36x128x256xf32>
    %mul3A_333 = arith.mulf %reshape3A_331, %reshape3A_332 : vector<36x128x256xf32>
    %reduce_sum3A_334 = arith.constant dense<0.000000e+00> : vector<128x256xf32>
    %reduce_sum3A_335 = vector.multi_reduction <add>, %mul3A_333, %reduce_sum3A_334 [0] : vector<36x128x256xf32> to vector<128x256xf32>
    %get3A_336 = arith.constant 0 : index
    %get3A_337 = arith.constant 0 : index
    %get3A_338 = vector.load %arg1[%get3A_336, %get3A_337] : memref<128x256xf32, #tpu.memory_space<vmem>>, vector<128x256xf32>
    %convert_element_type3A_339 = arith.truncf %reduce_sum3A_335 : vector<128x256xf32> to vector<128x256xbf16>
    %get3A_340 = arith.constant 0 : index
    %get3A_341 = arith.constant 0 : index
    %get3A_342 = vector.load %arg21[%get3A_340, %get3A_341] : memref<256x256xbf16, #tpu.memory_space<vmem>>, vector<256x256xbf16>
    %dot_general3A_343 = arith.constant dense<0.000000e+00> : vector<128x256xf32>
    %dot_general3A_344 = tpu.matmul %convert_element_type3A_339, %get3A_342, %dot_general3A_343 {dimension_numbers = #tpu.dot_dimension_numbers<[1], [0], [0], [1], [0, 0, 1, 1], [], []>, transpose_lhs_hint = false} : vector<128x256xbf16>, vector<256x256xbf16>, vector<128x256xf32> -> vector<128x256xf32>
    %add3A_345 = arith.addf %get3A_338, %dot_general3A_344 : vector<128x256xf32>
    %get3A_346 = arith.constant 0 : index
    %get3A_347 = arith.constant 0 : index
    %get3A_348 = vector.load %arg22[%get3A_346, %get3A_347] : memref<1x256xf32, #tpu.memory_space<vmem>>, vector<1x256xf32>
    %add3A_349 = vector.broadcast %get3A_348 : vector<1x256xf32> to vector<128x256xf32>
    %add3A_350 = arith.addf %add3A_345, %add3A_349 : vector<128x256xf32>
    %reduce_sum3A_351 = arith.constant dense<0.000000e+00> : vector<128xf32>
    %reduce_sum3A_352 = vector.multi_reduction <add>, %add3A_350, %reduce_sum3A_351 [1] : vector<128x256xf32> to vector<128xf32>
    %broadcast_in_dim3A_353 = vector.shape_cast %reduce_sum3A_352 : vector<128xf32> to vector<128x1xf32>
    %div3A_354 = arith.constant 2.560000e+02 : f32
    %div3A_355 = vector.broadcast %div3A_354 : f32 to vector<128x1xf32>
    %div3A_356 = arith.divf %broadcast_in_dim3A_353, %div3A_355 : vector<128x1xf32>
    %sub3A_357 = vector.broadcast %div3A_356 : vector<128x1xf32> to vector<128x256xf32>
    %sub3A_358 = arith.subf %add3A_350, %sub3A_357 : vector<128x256xf32>
    %mul3A_359 = arith.mulf %sub3A_358, %sub3A_358 : vector<128x256xf32>
    %reduce_sum3A_360 = arith.constant dense<0.000000e+00> : vector<128xf32>
    %reduce_sum3A_361 = vector.multi_reduction <add>, %mul3A_359, %reduce_sum3A_360 [1] : vector<128x256xf32> to vector<128xf32>
    %broadcast_in_dim3A_362 = vector.shape_cast %reduce_sum3A_361 : vector<128xf32> to vector<128x1xf32>
    %div3A_363 = arith.constant 2.560000e+02 : f32
    %div3A_364 = vector.broadcast %div3A_363 : f32 to vector<128x1xf32>
    %div3A_365 = arith.divf %broadcast_in_dim3A_362, %div3A_364 : vector<128x1xf32>
    %add3A_366 = arith.constant 9.99999974E-6 : f32
    %add3A_367 = vector.broadcast %add3A_366 : f32 to vector<128x1xf32>
    %add3A_368 = arith.addf %div3A_365, %add3A_367 : vector<128x1xf32>
    %rsqrt3A_369 = math.rsqrt %add3A_368 : vector<128x1xf32>
    %mul3A_370 = vector.broadcast %rsqrt3A_369 : vector<128x1xf32> to vector<128x256xf32>
    %mul3A_371 = arith.mulf %sub3A_358, %mul3A_370 : vector<128x256xf32>
    %get3A_372 = arith.constant 0 : index
    %get3A_373 = arith.constant 0 : index
    %get3A_374 = vector.load %arg25[%get3A_372, %get3A_373] : memref<1x256xf32, #tpu.memory_space<vmem>>, vector<1x256xf32>
    %mul3A_375 = vector.broadcast %get3A_374 : vector<1x256xf32> to vector<128x256xf32>
    %mul3A_376 = arith.mulf %mul3A_371, %mul3A_375 : vector<128x256xf32>
    %get3A_377 = arith.constant 0 : index
    %get3A_378 = arith.constant 0 : index
    %get3A_379 = vector.load %arg26[%get3A_377, %get3A_378] : memref<1x256xf32, #tpu.memory_space<vmem>>, vector<1x256xf32>
    %add3A_380 = vector.broadcast %get3A_379 : vector<1x256xf32> to vector<128x256xf32>
    %add3A_381 = arith.addf %mul3A_376, %add3A_380 : vector<128x256xf32>
    %convert_element_type3A_382 = arith.truncf %add3A_381 : vector<128x256xf32> to vector<128x256xbf16>
    %get3A_383 = arith.constant 0 : index
    %get3A_384 = arith.constant 0 : index
    %get3A_385 = vector.load %arg27[%get3A_383, %get3A_384] : memref<256x1024xbf16, #tpu.memory_space<vmem>>, vector<256x1024xbf16>
    %dot_general3A_386 = arith.constant dense<0.000000e+00> : vector<128x1024xf32>
    %dot_general3A_387 = tpu.matmul %convert_element_type3A_382, %get3A_385, %dot_general3A_386 {dimension_numbers = #tpu.dot_dimension_numbers<[1], [0], [0], [1], [0, 0, 1, 1], [], []>, transpose_lhs_hint = false} : vector<128x256xbf16>, vector<256x1024xbf16>, vector<128x1024xf32> -> vector<128x1024xf32>
    %get3A_388 = arith.constant 0 : index
    %get3A_389 = arith.constant 0 : index
    %get3A_390 = vector.load %arg28[%get3A_388, %get3A_389] : memref<1x1024xf32, #tpu.memory_space<vmem>>, vector<1x1024xf32>
    %add3A_391 = vector.broadcast %get3A_390 : vector<1x1024xf32> to vector<128x1024xf32>
    %add3A_392 = arith.addf %dot_general3A_387, %add3A_391 : vector<128x1024xf32>
    %integer_pow3A = arith.mulf %add3A_392, %add3A_392 : vector<128x1024xf32>
    %integer_pow3A_393 = arith.mulf %add3A_392, %integer_pow3A : vector<128x1024xf32>
    %mul3A_394 = arith.constant 4.471500e-02 : f32
    %mul3A_395 = vector.broadcast %mul3A_394 : f32 to vector<128x1024xf32>
    %mul3A_396 = arith.mulf %mul3A_395, %integer_pow3A_393 : vector<128x1024xf32>
    %add3A_397 = arith.addf %add3A_392, %mul3A_396 : vector<128x1024xf32>
    %mul3A_398 = arith.constant 0.797884583 : f32
    %mul3A_399 = vector.broadcast %mul3A_398 : f32 to vector<128x1024xf32>
    %mul3A_400 = arith.mulf %mul3A_399, %add3A_397 : vector<128x1024xf32>
    %tanh3A = math.tanh %mul3A_400 : vector<128x1024xf32>
    %add3A_401 = arith.constant 1.000000e+00 : f32
    %add3A_402 = vector.broadcast %add3A_401 : f32 to vector<128x1024xf32>
    %add3A_403 = arith.addf %add3A_402, %tanh3A : vector<128x1024xf32>
    %mul3A_404 = arith.constant 5.000000e-01 : f32
    %mul3A_405 = vector.broadcast %mul3A_404 : f32 to vector<128x1024xf32>
    %mul3A_406 = arith.mulf %mul3A_405, %add3A_403 : vector<128x1024xf32>
    %mul3A_407 = arith.mulf %add3A_392, %mul3A_406 : vector<128x1024xf32>
    %convert_element_type3A_408 = arith.truncf %mul3A_407 : vector<128x1024xf32> to vector<128x1024xbf16>
    %get3A_409 = arith.constant 0 : index
    %get3A_410 = arith.constant 0 : index
    %get3A_411 = vector.load %arg29[%get3A_409, %get3A_410] : memref<1024x256xbf16, #tpu.memory_space<vmem>>, vector<1024x256xbf16>
    %dot_general3A_412 = arith.constant dense<0.000000e+00> : vector<128x256xf32>
    %dot_general3A_413 = tpu.matmul %convert_element_type3A_408, %get3A_411, %dot_general3A_412 {dimension_numbers = #tpu.dot_dimension_numbers<[1], [0], [0], [1], [0, 0, 1, 1], [], []>, transpose_lhs_hint = false} : vector<128x1024xbf16>, vector<1024x256xbf16>, vector<128x256xf32> -> vector<128x256xf32>
    %add3A_414 = arith.addf %add3A_350, %dot_general3A_413 : vector<128x256xf32>
    %get3A_415 = arith.constant 0 : index
    %get3A_416 = arith.constant 0 : index
    %get3A_417 = vector.load %arg30[%get3A_415, %get3A_416] : memref<1x256xf32, #tpu.memory_space<vmem>>, vector<1x256xf32>
    %add3A_418 = vector.broadcast %get3A_417 : vector<1x256xf32> to vector<128x256xf32>
    %add3A_419 = arith.addf %add3A_414, %add3A_418 : vector<128x256xf32>
    %swap3A = arith.constant 0 : index
    %swap3A_420 = arith.constant 0 : index
    %swap3A_421 = vector.load %arg31[%swap3A, %swap3A_420] : memref<128x256xf32, #tpu.memory_space<vmem>>, vector<128x256xf32>
    tpu.vector_store %arg31[%swap3A, %swap3A_420], %add3A_419 {strides = array<i32>} : memref<128x256xf32, #tpu.memory_space<vmem>>, vector<128x256xf32>,
    return
  }
  func.func @transform_0(%arg0: i32) -> (i32, i32) {
    %c0_i32 = arith.constant 0 : i32
    %c0_i32_0 = arith.constant 0 : i32
    return %arg0, %c0_i32 : i32, i32
  }
  func.func @transform_1(%arg0: i32) -> (i32, i32) {
    %c0_i32 = arith.constant 0 : i32
    %c0_i32_0 = arith.constant 0 : i32
    return %arg0, %c0_i32 : i32, i32
  }
  func.func @transform_2(%arg0: i32) -> (i32, i32, i32) {
    %c0_i32 = arith.constant 0 : i32
    %c0_i32_0 = arith.constant 0 : i32
    %c0_i32_1 = arith.constant 0 : i32
    return %c0_i32, %arg0, %c0_i32_0 : i32, i32, i32
  }
  func.func @transform_3(%arg0: i32) -> (i32, i32) {
    %c0_i32 = arith.constant 0 : i32
    %c0_i32_0 = arith.constant 0 : i32
    %c0_i32_1 = arith.constant 0 : i32
    return %c0_i32, %c0_i32_0 : i32, i32
  }
  func.func @transform_4(%arg0: i32) -> (i32, i32) {
    %c0_i32 = arith.constant 0 : i32
    %c0_i32_0 = arith.constant 0 : i32
    %c0_i32_1 = arith.constant 0 : i32
    return %c0_i32, %c0_i32_0 : i32, i32
  }
  func.func @transform_5(%arg0: i32) -> (i32, i32) {
    %c0_i32 = arith.constant 0 : i32
    %c0_i32_0 = arith.constant 0 : i32
    %c0_i32_1 = arith.constant 0 : i32
    return %c0_i32, %c0_i32_0 : i32, i32
  }
  func.func @transform_6(%arg0: i32) -> (i32, i32) {
    %c0_i32 = arith.constant 0 : i32
    %c0_i32_0 = arith.constant 0 : i32
    %c0_i32_1 = arith.constant 0 : i32
    return %c0_i32, %c0_i32_0 : i32, i32
  }
  func.func @transform_7(%arg0: i32) -> (i32, i32) {
    %c0_i32 = arith.constant 0 : i32
    %c0_i32_0 = arith.constant 0 : i32
    %c0_i32_1 = arith.constant 0 : i32
    return %c0_i32, %c0_i32_0 : i32, i32
  }
  func.func @transform_8(%arg0: i32) -> (i32, i32) {
    %c0_i32 = arith.constant 0 : i32
    %c0_i32_0 = arith.constant 0 : i32
    %c0_i32_1 = arith.constant 0 : i32
    return %c0_i32, %c0_i32_0 : i32, i32
  }
  func.func @transform_9(%arg0: i32) -> (i32, i32) {
    %c0_i32 = arith.constant 0 : i32
    %c0_i32_0 = arith.constant 0 : i32
    %c0_i32_1 = arith.constant 0 : i32
    return %c0_i32, %c0_i32_0 : i32, i32
  }
  func.func @transform_10(%arg0: i32) -> (i32, i32) {
    %c0_i32 = arith.constant 0 : i32
    %c0_i32_0 = arith.constant 0 : i32
    %c0_i32_1 = arith.constant 0 : i32
    return %c0_i32, %c0_i32_0 : i32, i32
  }
  func.func @transform_11(%arg0: i32) -> (i32, i32) {
    %c0_i32 = arith.constant 0 : i32
    %c0_i32_0 = arith.constant 0 : i32
    %c0_i32_1 = arith.constant 0 : i32
    return %c0_i32, %c0_i32_0 : i32, i32
  }
  func.func @transform_12(%arg0: i32) -> (i32, i32) {
    %c0_i32 = arith.constant 0 : i32
    %c0_i32_0 = arith.constant 0 : i32
    %c0_i32_1 = arith.constant 0 : i32
    return %c0_i32, %c0_i32_0 : i32, i32
  }
  func.func @transform_13(%arg0: i32) -> (i32, i32) {
    %c0_i32 = arith.constant 0 : i32
    %c0_i32_0 = arith.constant 0 : i32
    %c0_i32_1 = arith.constant 0 : i32
    return %c0_i32, %c0_i32_0 : i32, i32
  }
  func.func @transform_14(%arg0: i32) -> (i32, i32) {
    %c0_i32 = arith.constant 0 : i32
    %c0_i32_0 = arith.constant 0 : i32
    %c0_i32_1 = arith.constant 0 : i32
    return %c0_i32, %c0_i32_0 : i32, i32
  }
  func.func @transform_15(%arg0: i32) -> (i32, i32) {
    %c0_i32 = arith.constant 0 : i32
    %c0_i32_0 = arith.constant 0 : i32
    %c0_i32_1 = arith.constant 0 : i32
    return %c0_i32, %c0_i32_0 : i32, i32
  }
  func.func @transform_16(%arg0: i32) -> (i32, i32) {
    %c0_i32 = arith.constant 0 : i32
    %c0_i32_0 = arith.constant 0 : i32
    %c0_i32_1 = arith.constant 0 : i32
    return %c0_i32, %c0_i32_0 : i32, i32
  }
  func.func @transform_17(%arg0: i32) -> (i32, i32) {
    %c0_i32 = arith.constant 0 : i32
    %c0_i32_0 = arith.constant 0 : i32
    %c0_i32_1 = arith.constant 0 : i32
    return %c0_i32, %c0_i32_0 : i32, i32
  }
  func.func @transform_18(%arg0: i32) -> (i32, i32) {
    %c0_i32 = arith.constant 0 : i32
    %c0_i32_0 = arith.constant 0 : i32
    %c0_i32_1 = arith.constant 0 : i32
    return %c0_i32, %c0_i32_0 : i32, i32
  }
  func.func @transform_19(%arg0: i32) -> (i32, i32) {
    %c0_i32 = arith.constant 0 : i32
    %c0_i32_0 = arith.constant 0 : i32
    %c0_i32_1 = arith.constant 0 : i32
    return %c0_i32, %c0_i32_0 : i32, i32
  }
  func.func @transform_20(%arg0: i32) -> (i32, i32) {
    %c0_i32 = arith.constant 0 : i32
    %c0_i32_0 = arith.constant 0 : i32
    %c0_i32_1 = arith.constant 0 : i32
    return %c0_i32, %c0_i32_0 : i32, i32
  }
  func.func @transform_21(%arg0: i32) -> (i32, i32) {
    %c0_i32 = arith.constant 0 : i32
    %c0_i32_0 = arith.constant 0 : i32
    %c0_i32_1 = arith.constant 0 : i32
    return %c0_i32, %c0_i32_0 : i32, i32
  }
  func.func @transform_22(%arg0: i32) -> (i32, i32) {
    %c0_i32 = arith.constant 0 : i32
    %c0_i32_0 = arith.constant 0 : i32
    %c0_i32_1 = arith.constant 0 : i32
    return %c0_i32, %c0_i32_0 : i32, i32
  }
  func.func @transform_23(%arg0: i32) -> (i32, i32) {
    %c0_i32 = arith.constant 0 : i32
    %c0_i32_0 = arith.constant 0 : i32
    %c0_i32_1 = arith.constant 0 : i32
    return %c0_i32, %c0_i32_0 : i32, i32
  }
  func.func @transform_24(%arg0: i32) -> (i32, i32) {
    %c0_i32 = arith.constant 0 : i32
    %c0_i32_0 = arith.constant 0 : i32
    %c0_i32_1 = arith.constant 0 : i32
    return %c0_i32, %c0_i32_0 : i32, i32
  }
  func.func @transform_25(%arg0: i32) -> (i32, i32) {
    %c0_i32 = arith.constant 0 : i32
    %c0_i32_0 = arith.constant 0 : i32
    %c0_i32_1 = arith.constant 0 : i32
    return %c0_i32, %c0_i32_0 : i32, i32
  }
  func.func @transform_26(%arg0: i32) -> (i32, i32) {
    %c0_i32 = arith.constant 0 : i32
    %c0_i32_0 = arith.constant 0 : i32
    %c0_i32_1 = arith.constant 0 : i32
    return %c0_i32, %c0_i32_0 : i32, i32
  }
  func.func @transform_27(%arg0: i32) -> (i32, i32) {
    %c0_i32 = arith.constant 0 : i32
    %c0_i32_0 = arith.constant 0 : i32
    %c0_i32_1 = arith.constant 0 : i32
    return %c0_i32, %c0_i32_0 : i32, i32
  }
  func.func @transform_28(%arg0: i32) -> (i32, i32) {
    %c0_i32 = arith.constant 0 : i32
    %c0_i32_0 = arith.constant 0 : i32
    %c0_i32_1 = arith.constant 0 : i32
    return %c0_i32, %c0_i32_0 : i32, i32
  }
  func.func @transform_29(%arg0: i32) -> (i32, i32) {
    %c0_i32 = arith.constant 0 : i32
    %c0_i32_0 = arith.constant 0 : i32
    %c0_i32_1 = arith.constant 0 : i32
    return %c0_i32, %c0_i32_0 : i32, i32
  }
  func.func @transform_30(%arg0: i32) -> (i32, i32) {
    %c0_i32 = arith.constant 0 : i32
    %c0_i32_0 = arith.constant 0 : i32
    return %arg0, %c0_i32 : i32, i32
  }
}

</mosaic_0001>

<sc_bundles>
// kernel: kernel.6.cloned.1.call-start
scs
__scs_entry_jumppad:
0x0: {  	(pc) =	sbr.rel $0x88, $3  }
0x1: {  	(tag) =	ssettag $0x0;
	lr =	simm.s32 $0x1  }
0x2: {  	[smem:$0x3F8C] =	sst lr;
	_ =	strace $0xD0000000  }
0x3: {  	_ = 	snop  }
0x4: {  	_ = 	snop  }
0x5: {  	_ = 	snop  }
0x6: {  	_ = 	snop  }
0x7: {  	_ = 	snop  }
__scs_overlays_trampoline_lowered:
0x8: {  	[smem:$0x3F9B] =	sst s0  }
0x9: {  	[smem:$0x3F9C] =	sst s1  }
0xa: {  	[smem:$0x3F9D] =	sst s2  }
0xb: {  	[smem:$0x3F9E] =	sst s3  }
0xc: {  	[smem:$0x3F9F] =	sst s4  }
0xd: {  	[smem:$0x3FA0] =	sst s5  }
0xe: {  	[smem:$0x3FA1] =	sst s6  }
0xf: {  	[smem:$0x3FA2] =	sst s7  }
0x10: {  	[smem:$0x3FA3] =	sst s8  }
0x11: {  	[smem:$0x3FA4] =	sst s9;
	s0 =	simm.s32 @!p0 $0x0  }
0x12: {  	s1 =	sld [smem:$0x3F8A];
	s0 =	simm.s32 @p0 $0x1  }
0x13: {  	[smem:$0x3FA5] =	sst s0;
	s0 =	simm.s32 @!p1 $0x0  }
0x14: {  	s2 =	sld [smem:$0x3F89];
	s0 =	simm.s32 @p1 $0x1  }
0x15: {  	[smem:$0x3FA6] =	sst s0;
	s0 =	simm.s32 @!p2 $0x0  }
0x16: {  	s3 =	sld [smem:$0x3FDB];
	s0 =	simm.s32 @p2 $0x1  }
0x17: {  	s4 =	simm.s32 $0x1BF5;
	[smem:$0x3FA8] =	sst s0  }
0x18: {  	s0 =	sld [smem:$0x3F8B];
	_ =	swait.ge [sflag:s4], $0x0  }
0x19: {  	s7 =	sld [smem:$0x3F8C]  }
0x1a: {  	s8 =	sadd.s32 $0xFFFFE003, lr  }
0x1b: {  	s9 =	sadd.s32 $0xFFFFFEF7, lr;
	s5 =	simm.s32 $0xFFFFFFFF;
	p2 =	slt.u32 s8, $0xFFFFF086  }
0x1c: {  	p1 =	slt.u32 s9, $0xF7A;
	s5 =	simm.s32 @!p2 $0x0  }
0x1d: {  	s5 =	simm.s32 @p1 $0x1;
	p0 =	seq.s32 s7, s2  }
0x1e: {  	s7 =	smul.u32 @!p0 $0xF7A, s2;
	p2 =	seq.s32 @!p0 s5, $0x0  }
0x1f: {  	s9 =	smul.u32 $0xF7A, s1;
	s8 =	simm.s32 @!p0 $0x1BF5;
	p2 =	por !p2, p0  }
0x20: {  	[sflag:s8] =	ssyncset.s32 @!p0 $0xFFFFF086;
	s6 =	sadd.s32 @!p0 s3, s7;
	s7 =	simm.s32 @!p0 $0x108  }
0x21: {  	s3 =	sadd.s32 s3, s9;
	s6 =	sadd.s32 @!p0 $0x88, s6;
	s7 =	simm.s32 @p2 $0x1082  }
0x22: {  	[simem:s7], [sflag:s8] =	dma.local @!p0 [hbm:s6], $0xF7A  }
0x23: {  	s9 =	sor.u32 $0xD0000000, s2;
	s6 =	simm.s32 $0x108;
	_ =	swait.ge @!p0 [sflag:s8], $0x0  }
0x24: {  	s3 =	sadd.s32 $0x88, s3;
	s6 =	simm.s32 @!p1 $0x1082;
	[sflag:s4] =	ssyncset.s32 $0xFFFFF086  }
0x25: {  	[simem:s6], [sflag:s4] =	dma.local [hbm:s3], $0xF7A  }
0x26: {  	[smem:$0x3F8C] =	sst s1;
	(tag) =	ssettag s2;
	_ =	strace s9  }
0x27: {  	s1 =	sld [smem:$0x3F9C]  }
0x28: {  	s2 =	sld [smem:$0x3F9D]  }
0x29: {  	s4 =	sld [smem:$0x3F9F]  }
0x2a: {  	p0 =	seq.s32 s5, $0x0;
	s5 =	sld [smem:$0x3FA0]  }
0x2b: {  	s6 =	sld [smem:$0x3FA1]  }
0x2c: {  	s7 =	sld [smem:$0x3FA2]  }
0x2d: {  	s3 =	simm.s32 $0x108;
	s8 =	sld [smem:$0x3FA3]  }
0x2e: {  	s3 =	simm.s32 @!p0 $0x1082;
	s9 =	sld [smem:$0x3FA4]  }
0x2f: {  	lr =	sadd.s32 s0, s3;
	s0 =	sld [smem:$0x3F9B]  }
0x30: {  	s3 =	sld [smem:$0x3F9E]  }
0x31: {  	[smem:$0x3FA7] =	sst s10  }
0x32: {  	s10 =	sld [smem:$0x3FA5];
	_ =	sdelay $0x3  }
0x33: {  	p0 =	seq.s32 s10, $0x1;
	s10 =	sld [smem:$0x3FA7];
	_ =	sdelay $0x3  }
0x34: {  	[smem:$0x3FA7] =	sst s10  }
0x35: {  	s10 =	sld [smem:$0x3FA6];
	_ =	sdelay $0x3  }
0x36: {  	p1 =	seq.s32 s10, $0x1;
	s10 =	sld [smem:$0x3FA7];
	_ =	sdelay $0x3  }
0x37: {  	[smem:$0x3FA7] =	sst s10  }
0x38: {  	s10 =	sld [smem:$0x3FA8]  }
0x39: {  	_ = 	snop;
	(pc) =	sbr.ind lr, $3  }
0x3a: {  	_ = 	snop  }
0x3b: {  	_ = 	snop  }
0x3c: {  	p2 =	seq.s32 s10, $0x1;
	s10 =	sld [smem:$0x3FA7]  }
0x3d: {  	_ =	shalt  }
0x3e: {  	_ =	shalt  }
0x3f: {  	_ =	shalt  }
0x40: {  	_ =	shalt  }
0x41: {  	_ =	shalt  }
0x42: {  	_ =	shalt  }
0x43: {  	_ =	shalt  }
0x44: {  	_ =	shalt  }
0x45: {  	_ =	shalt  }
0x46: {  	_ =	shalt  }
0x47: {  	_ =	shalt  }
0x48: {  	_ =	shalt  }
0x49: {  	_ =	shalt  }
0x4a: {  	_ =	shalt  }
0x4b: {  	_ =	shalt  }
0x4c: {  	_ =	shalt  }
0x4d: {  	_ =	shalt  }
0x4e: {  	_ =	shalt  }
0x4f: {  	_ =	shalt  }
0x50: {  	_ =	shalt  }
0x51: {  	_ =	shalt  }
0x52: {  	_ =	shalt  }
0x53: {  	_ =	shalt  }
0x54: {  	_ =	shalt  }
0x55: {  	_ =	shalt  }
0x56: {  	_ =	shalt  }
0x57: {  	_ =	shalt  }
0x58: {  	_ =	shalt  }
0x59: {  	_ =	shalt  }
0x5a: {  	_ =	shalt  }
0x5b: {  	_ =	shalt  }
0x5c: {  	_ =	shalt  }
0x5d: {  	_ =	shalt  }
0x5e: {  	_ =	shalt  }
0x5f: {  	_ =	shalt  }
0x60: {  	_ =	shalt  }
0x61: {  	_ =	shalt  }
0x62: {  	_ =	shalt  }
0x63: {  	_ =	shalt  }
0x64: {  	_ =	shalt  }
0x65: {  	_ =	shalt  }
0x66: {  	_ =	shalt  }
0x67: {  	_ =	shalt  }
0x68: {  	_ =	shalt  }
0x69: {  	_ =	shalt  }
0x6a: {  	_ =	shalt  }
0x6b: {  	_ =	shalt  }
0x6c: {  	_ =	shalt  }
0x6d: {  	_ =	shalt  }
0x6e: {  	_ =	shalt  }
0x6f: {  	_ =	shalt  }
0x70: {  	_ =	shalt  }
0x71: {  	_ =	shalt  }
0x72: {  	_ =	shalt  }
0x73: {  	_ =	shalt  }
0x74: {  	_ =	shalt  }
0x75: {  	_ =	shalt  }
0x76: {  	_ =	shalt  }
0x77: {  	_ =	shalt  }
0x78: {  	_ =	shalt  }
0x79: {  	_ =	shalt  }
0x7a: {  	_ =	shalt  }
0x7b: {  	_ =	shalt  }
0x7c: {  	_ =	shalt  }
0x7d: {  	_ =	shalt  }
0x7e: {  	_ =	shalt  }
0x7f: {  	_ =	shalt  }
0x80: {  	_ =	shalt  }
0x81: {  	_ =	shalt  }
0x82: {  	_ =	shalt  }
0x83: {  	_ =	shalt  }
0x84: {  	_ =	shalt  }
0x85: {  	_ =	shalt  }
0x86: {  	_ =	shalt  }
0x87: {  	_ =	shalt  }
.Lfunc_end0:
.L_simem_size_0:
called_computation_lowered:
.L_overlay_start_0:
0x88: {  	s2 =	sld [smem:$0x3FD9]  }
0x89: {  	s3 =	sld [smem:$0x3FFE];
	_ =	sdelay $0x1  }
0x8a: {  	s1 =	srdreg.scid  }
0x8b: {  	s0 =	sand.u32 $0x1, s1  }
0x8c: {  	s17 =	sshll.u32 s0, $0xA;
	s2 =	sadd.s32 s3, s2  }
0x8d: {  	s2 =	sadd.s32 s2, s17  }
0x8e: {  	[smem:$0x3FB3] =	sst s2  }
0x8f: {  	_ = 	snop  }
0x90: {  	s18 =	sld [smem:$0x3FD0];
	(tm) =	ssettm $0x1  }
0x91: {  	s19 =	sld [smem:$0x3FFB];
	_ =	sdelay $0x3  }
0x92: {  	_ =	strace s19  }
0x93: {  	s2 =	sld [smem:$0x3FFC];
	_ =	sdelay $0x3  }
0x94: {  	_ =	strace s2  }
0x95: {  	s2 =	sld [smem:$0x3FFD];
	_ =	sdelay $0x3  }
0x96: {  	_ =	strace s2  }
0x97: {  	_ =	strace $0x8FFFFFFF  }
0x98: {  	s20 =	sld [smem:$0x3FDB];
	_ =	sdelay $0x1  }
0x99: {  	s4 =	simm.s32 $_scs_section_size  }
0x9a: {  	s5 =	simm.s32 $_size__tile_overlayer_lowered;
	s6 =	simm.s32 $_tile_overlayer_lowered  }
0x9b: {  	s7 =	simm.s32 $0x1BFF;
	s21 =	sshll.u32 s6, $0x1;
	s4 =	sadd.s32 s4, s20  }
0x9c: {  	s22 =	simm.s32 $0x0;
	s5 =	sshll.u32 s5, $0x1;
	s6 =	sadd.s32 s21, s4  }
0x9d: {  	[timem:s22], [sflag:s7] =	dma.local [hbm:s6], s5  }
0x9e: {  	_ =	swait.ge [sflag:s7], s5  }
0x9f: {  	s5 =	ssub.s32 $0x0, s5;
	[sflag:s7] =	ssyncset.done $0x0  }
0xa0: {  	[sflag:s7] =	ssyncadd.s32 s5;
	_ =	sdelay $0x1  }
0xa1: {  	s23 =	simm.s32 $0x1B8B  }
0xa2: {  	_ =	swait.ge [sflag:s23], $0x1  }
0xa3: {  	[sflag:s23] =	ssyncset.done $0x0  }
0xa4: {  	[sflag:s23] =	ssyncadd.s32 $0xFFFFFFFF  }
0xa5: {  	s5 =	sld [smem:$0x0]  }
0xa6: {  	s6 =	sand.u32 $0xFFFFFFFE, s1  }
0xa7: {  	p0 =	sne.s32 s1, s6  }
0xa8: {  	s6 =	sshll.u32 @p0 s6, $0xE  }
0xa9: {  	s6 =	sadd.s32 @p0 $0x11B8D, s6;
	s7 =	sshll.u32 @p0 s5, $0x11  }
0xaa: {  	s6 =	sor.u32 @p0 s7, s6  }
0xab: {  	[sflag:s6] =	ssyncadd.remote.s32 @p0 $0x1;
	_ =	sdelay $0x1  }
0xac: {  	s6 =	simm.s32 @p0 $0x1B8D  }
0xad: {  	_ =	swait.eq @p0 [sflag:s6], $0x1  }
0xae: {  	[sflag:s6] =	ssyncadd.s32 @p0 $0xFFFFFFFF  }
0xaf: {  	s7 =	sshll.u32 @!p0 s1, $0xE  }
0xb0: {  	s7 =	sor.u32 @!p0 $0x4000, s7;
	s6 =	simm.s32 @!p0 $0x1B8D  }
0xb1: {  	s5 =	sshll.u32 @!p0 s5, $0x11;
	s7 =	sadd.s32 @!p0 $0x11B8D, s7;
	_ =	swait.eq @!p0 [sflag:s6], $0x1  }
0xb2: {  	s5 =	sor.u32 @!p0 s5, s7;
	[sflag:s6] =	ssyncadd.s32 @!p0 $0xFFFFFFFF  }
0xb3: {  	s25 =	simm.s32 $0x1B8E;
	s24 =	sld [smem:$0x3FFE];
	[sflag:s5] =	ssyncadd.remote.s32 @!p0 $0x1  }
0xb4: {  	s26 =	simm.s32 $execute0_lowered;
	[smem:$0x3FD2] =	sst s25  }
0xb5: {  	s6 =	sshll.u32 s26, $0x1;
	_ =	strace $0x80000050;
	[dreg:$0x1] =	wrdreg $0xFFFFFFFF  }
0xb6: {  	s28 =	simm.s32 $_size_execute0_lowered;
	s4 =	sadd.s32 s4, s6;
	[dreg:$0x0] =	wrdreg $0x0  }
0xb7: {  	s6 =	sshll.u32 s28, $0x1;
	[dreg:$0x2] =	wrdreg s4  }
0xb8: {  	[dreg:$0x3] =	wrdreg s6  }
0xb9: {  	[dreg:$0x4] =	wrdreg $0xC0  }
0xba: {  	_ =	task [dreg:s22], $0x5FFFF  }
0xbb: {  	[dreg:$0x1] =	wrdreg $0xFFFFFFFF  }
0xbc: {  	[dreg:$0x0] =	wrdreg $0x60  }
0xbd: {  	[dreg:$0x2] =	wrdreg s24  }
0xbe: {  	[dreg:$0x3] =	wrdreg s18  }
0xbf: {  	[dreg:$0x4] =	wrdreg $0x9  }
0xc0: {  	_ =	task.clear_ibuf [dreg:s22], $0x5FFFF;
	_ =	strace $0x90000050  }
0xc1: {  	s29 =	simm.s32 $0x9;
	_ =	strace $0x80000059  }
0xc2: {  	_ =	swait.ge [sflag:s29], $0x1  }
0xc3: {  	[sflag:s29] =	ssyncadd.s32 $0xFFFFFFFF  }
0xc4: {  	_ =	strace $0x90000059  }
0xc5: {  	_ =	sfence  }
0xc6: {  	s30 =	sld [smem:$0x0];
	_ =	sdelay $0x2  }
0xc7: {  	s31 =	sshll.u32 s1, $0xD;
	s1 =	sshrl.u32 s1, $0x2  }
0xc8: {  	s4 =	sand.u32 $0x4000, s31;
	s1 =	sadd.s32 s1, s30  }
0xc9: {  	s0 =	sor.u32 s4, s0;
	s1 =	sshll.u32 s1, $0x11  }
0xca: {  	s0 =	sor.u32 s1, s0  }
0xcb: {  	s0 =	sadd.s32 $0x8F2B, s0  }
0xcc: {  	[sflag:s0] =	ssyncadd.remote.s32 $0x1  }
0xcd: {  	_ =	sfence.sel $0xFFFF  }
0xce: {  	[dreg:$0x0] =	wrdreg $0xFFFFFFFF;
	(pc) =	sbr.abs _section_cstart, $3  }
0xcf: {  	[dreg:$0x1] =	wrdreg $0xFFFFFFFF  }
0xd0: {  	_ =	task.clear_ibuf [dreg:s22], $0x2FFFF;
	_ =	strace $0x9FFFFFFF  }
0xd1: {  	(tm) =	ssettm $0x7FFFFFFF  }
tec
execute0_lowered:
.L_overlay_start_1:
0x0: {  	(tag) =	ssettag $0x1  }
0x1: {  	s4 =	rddreg [dreg:$0x0]  }
0x2: {  	s1 =	rddreg [dreg:$0x1];
	s2 =	srdreg.scid  }
0x3: {  	s0 =	rddreg [dreg:$0x2];
	s3 =	simm.s32 $0x0;
	s10 =	simm.s32 $0x0  }
0x4: {  	s5 =	sand.u32 $0x1, s2;
	[smem:$0x7FF] =	sst s3;
	s2 =	stileid.u32  }
0x5: {  	s7 =	sadd.s32 $0x64F000, s4;
	s4 =	sadd.s32 $0xF000, s4;
	s6 =	sshll.u32 s5, $0x4  }
0x6: {  	_ =	strace $0x80000051;
	s5 =	ssub.s32 $0x2, s5;
	s6 =	sor.u32 s2, s6  }
0x7: {  	v2 =	vlaneseq.u32;
	[dreg:$0x3] =	wrdreg s7;
	s8 =	sshrl.u32 s5, $0x1;
	s9 =	smul.u32 $0x120, s6  }
0x8: {  	vm0 =	vmmov $0xffff;
	v1 =	vshrl.u32 v2, $0x3;
	s31 =	ssub.s32 s5, s8;
	s5 =	smul.u32 $0x12, s6;
	s8 =	simm.s32 $0x5  }
0x9: {  	v0 =	vand.u32 $0x7, v2;
	v2 =	vor.u32 $0x8, v2;
	v1 =	vmul.u32 $0x8, v1;
	s7 =	smax.u32 s31, $0x1;
	s6 =	sadd.s32 s1, s9;
	s9 =	simm.s32 $0x4  }
.LBB2_1:
0xa: {  	_ =	strace $0x80000052;
	s11 =	simm.s32 $0x12  }
0xb: {  	s12 =	simm.s32 $0x0;
	s13 =	simm.s32 $0x0;
	s14 =	simm.s32 $0x0  }
0xc: {  	[tilespmem:s3], [sflag:$0x1] =	stream.linear.gather [hbm4b:s6+s3], $0x80, $0x200038;
	[tilespmem:$0x10100] =	vst v63  }
0xd: {  	s15 =	simm.s32 $0x0;
	s16 =	simm.s32 $0x1;
	_ =	strace $0x90000052  }
.LBB2_2:
0xe: {  	s17 =	smov.u32 s12;
	s12 =	sadd.s32 $0x1, s12  }
0xf: {  	p0 =	seq.s32 s12, $0x12  }
0x10: {  	s12 =	simm.s32 @p0 $0x0  }
0x11: {  	p6 =	sne.s32 s11, $0x1;
	p1 =	sne.s32 s17, s12  }
0x12: {  	p0 =	por !p6, !p1  }
0x13: {  	p0 =	por !p0, !p0  }
0x14: {  	s18 =	sadd.s32 @p0 s5, s12  }
0x15: {  	s19 =	sand.u32 @p0 $0x1, s16;
	s18 =	sshll.u32 @p0 s18, $0x4  }
0x16: {  	_ =	strace @p0 $0x80000053;
	s21 =	simm.s32 @p0 $0x0;
	s18 =	sand.u32 @p0 $0x1FFFFFF0, s18  }
0x17: {  	s20 =	sshll.u32 @p0 s19, $0x7;
	s19 =	sadd.s32 @p0 $0x1, s19;
	s18 =	sadd.s32 @p0 s1, s18  }
0x18: {  	[tilespmem:s20], [sflag:s19] =	stream.linear.gather @p0 [hbm4b:s18+s21], $0x80, $0x200038;
	[tilespmem:$0x10100] =	vst v63  }
0x19: {  	s24 =	sand.u32 $0x1, s15;
	_ =	strace @p0 $0x90000053  }
0x1a: {  	s18 =	sadd.s32 $0x1, s24;
	_ =	strace $0x80000054  }
0x1b: {  	_ =	swait.ge [sflag:s18], $0x80  }
0x1c: {  	[sflag:s18] =	ssyncset.done $0x0  }
0x1d: {  	[sflag:s18] =	ssyncadd.s32 $0xFFFFFF80  }
0x1e: {  	s25 =	sshll.u32 s15, $0x7;
	_ =	strace $0x90000054  }
0x1f: {  	s21 =	sand.u32 $0x80, s25;
	_ =	strace $0x80000055  }
0x20: {  	v3 =	vld [tilespmem:s21+$0x0];
	_ =	sdelay $0x4  }
0x21: {  	v4 =	vshll.u32 v3, $0x1  }
0x22: {  	v3 =	vand.u32 $0x7, v3;
	v4 =	vand.u32 $0xFFFFFFF0, v4  }
0x23: {  	v3 =	vor.u32 v3, v4  }
0x24: {  	v4 =	vperm.xlane v3, v0;
	_ =	sdelay $0x1  }
0x25: {  	v3 =	vperm.xlane v3, v2;
	v4 =	vadd.s32 v1, v4;
	_ =	sdelay $0x1  }
0x26: {  	s18 =	sand.u32 $0x1, s14;
	v3 =	vadd.s32 v1, v3  }
0x27: {  	s20 =	sshll.u32 s18, $0xF  }
0x28: {  	s19 =	sor.u32 $0x100, s20  }
0x29: {  	[tilespmem:s19], [sflag:$0x5] =	stream.indirect_vreg.gather [hbm4b:s4+s3], $0x80, v4, vm0, $0x2000b8;
	[tilespmem:$0x10100] =	vst v63  }
0x2a: {  	s22 =	sor.u32 $0x900, s20  }
0x2b: {  	[tilespmem:s22], [sflag:$0x5] =	stream.indirect_vreg.gather [hbm4b:s4+s3], $0x80, v3, vm0, $0x2000b8;
	[tilespmem:$0x10100] =	vst v63  }
0x2c: {  	v3 =	vld [tilespmem:s21+$0x10];
	_ =	sdelay $0x4  }
0x2d: {  	v57 =	vshll.u32 v3, $0x1  }
0x2e: {  	v3 =	vand.u32 $0x7, v3;
	v4 =	vand.u32 $0xFFFFFFF0, v57  }
0x2f: {  	v3 =	vor.u32 v3, v4  }
0x30: {  	v4 =	vperm.xlane v3, v0;
	_ =	sdelay $0x1  }
0x31: {  	v3 =	vperm.xlane v3, v2;
	v4 =	vadd.s32 v1, v4;
	_ =	sdelay $0x1  }
0x32: {  	v3 =	vadd.s32 v1, v3;
	_ =	sdelay $0x1  }
0x33: {  	s26 =	sor.u32 $0x1100, s20  }
0x34: {  	[tilespmem:s26], [sflag:$0x5] =	stream.indirect_vreg.gather [hbm4b:s4+s3], $0x80, v4, vm0, $0x2000b8;
	[tilespmem:$0x10100] =	vst v63  }
0x35: {  	s28 =	sor.u32 $0x1900, s20  }
0x36: {  	[tilespmem:s28], [sflag:$0x5] =	stream.indirect_vreg.gather [hbm4b:s4+s3], $0x80, v3, vm0, $0x2000b8;
	[tilespmem:$0x10100] =	vst v63  }
0x37: {  	v3 =	vld [tilespmem:s21+$0x20];
	_ =	sdelay $0x4  }
0x38: {  	v58 =	vshll.u32 v3, $0x1  }
0x39: {  	v3 =	vand.u32 $0x7, v3;
	v4 =	vand.u32 $0xFFFFFFF0, v58  }
0x3a: {  	v3 =	vor.u32 v3, v4  }
0x3b: {  	v4 =	vperm.xlane v3, v0;
	_ =	sdelay $0x1  }
0x3c: {  	v3 =	vperm.xlane v3, v2;
	v4 =	vadd.s32 v1, v4;
	_ =	sdelay $0x1  }
0x3d: {  	v3 =	vadd.s32 v1, v3;
	_ =	sdelay $0x1  }
0x3e: {  	s29 =	sor.u32 $0x2100, s20  }
0x3f: {  	[tilespmem:s29], [sflag:$0x5] =	stream.indirect_vreg.gather [hbm4b:s4+s3], $0x80, v4, vm0, $0x2000b8;
	[tilespmem:$0x10100] =	vst v63  }
0x40: {  	s30 =	sor.u32 $0x2900, s20  }
0x41: {  	[tilespmem:s30], [sflag:$0x5] =	stream.indirect_vreg.gather [hbm4b:s4+s3], $0x80, v3, vm0, $0x2000b8;
	[tilespmem:$0x10100] =	vst v63  }
0x42: {  	v3 =	vld [tilespmem:s21+$0x30];
	_ =	sdelay $0x4  }
0x43: {  	v59 =	vshll.u32 v3, $0x1  }
0x44: {  	v3 =	vand.u32 $0x7, v3;
	v4 =	vand.u32 $0xFFFFFFF0, v59  }
0x45: {  	v3 =	vor.u32 v3, v4  }
0x46: {  	v4 =	vperm.xlane v3, v0;
	_ =	sdelay $0x1  }
0x47: {  	v3 =	vperm.xlane v3, v2;
	v4 =	vadd.s32 v1, v4;
	_ =	sdelay $0x1  }
0x48: {  	v3 =	vadd.s32 v1, v3;
	_ =	sdelay $0x1  }
0x49: {  	s31 =	sor.u32 $0x3100, s20  }
0x4a: {  	[tilespmem:s31], [sflag:$0x5] =	stream.indirect_vreg.gather [hbm4b:s4+s3], $0x80, v4, vm0, $0x2000b8;
	[tilespmem:$0x10100] =	vst v63  }
0x4b: {  	s23 =	sor.u32 $0x3900, s20  }
0x4c: {  	[tilespmem:s23], [sflag:$0x5] =	stream.indirect_vreg.gather [hbm4b:s4+s3], $0x80, v3, vm0, $0x2000b8;
	[tilespmem:$0x10100] =	vst v63  }
0x4d: {  	v3 =	vld [tilespmem:s21+$0x40];
	_ =	sdelay $0x4  }
0x4e: {  	v60 =	vshll.u32 v3, $0x1  }
0x4f: {  	v3 =	vand.u32 $0x7, v3;
	v4 =	vand.u32 $0xFFFFFFF0, v60  }
0x50: {  	v3 =	vor.u32 v3, v4  }
0x51: {  	v4 =	vperm.xlane v3, v0;
	_ =	sdelay $0x1  }
0x52: {  	v3 =	vperm.xlane v3, v2;
	v4 =	vadd.s32 v1, v4;
	_ =	sdelay $0x1  }
0x53: {  	v3 =	vadd.s32 v1, v3;
	_ =	sdelay $0x1  }
0x54: {  	s24 =	sor.u32 $0x4100, s20  }
0x55: {  	[tilespmem:s24], [sflag:$0x5] =	stream.indirect_vreg.gather [hbm4b:s4+s3], $0x80, v4, vm0, $0x2000b8;
	[tilespmem:$0x10100] =	vst v63  }
0x56: {  	s25 =	sor.u32 $0x4900, s20  }
0x57: {  	[tilespmem:s25], [sflag:$0x5] =	stream.indirect_vreg.gather [hbm4b:s4+s3], $0x80, v3, vm0, $0x2000b8;
	[tilespmem:$0x10100] =	vst v63  }
0x58: {  	v3 =	vld [tilespmem:s21+$0x50];
	_ =	sdelay $0x4  }
0x59: {  	v61 =	vshll.u32 v3, $0x1  }
0x5a: {  	v3 =	vand.u32 $0x7, v3;
	v4 =	vand.u32 $0xFFFFFFF0, v61  }
0x5b: {  	v3 =	vor.u32 v3, v4  }
0x5c: {  	v4 =	vperm.xlane v3, v0;
	_ =	sdelay $0x1  }
0x5d: {  	v3 =	vperm.xlane v3, v2;
	v4 =	vadd.s32 v1, v4;
	_ =	sdelay $0x1  }
0x5e: {  	v3 =	vadd.s32 v1, v3;
	_ =	sdelay $0x1  }
0x5f: {  	s26 =	sor.u32 $0x5100, s20  }
0x60: {  	[tilespmem:s26], [sflag:$0x5] =	stream.indirect_vreg.gather [hbm4b:s4+s3], $0x80, v4, vm0, $0x2000b8;
	[tilespmem:$0x10100] =	vst v63  }
0x61: {  	s28 =	sor.u32 $0x5900, s20  }
0x62: {  	[tilespmem:s28], [sflag:$0x5] =	stream.indirect_vreg.gather [hbm4b:s4+s3], $0x80, v3, vm0, $0x2000b8;
	[tilespmem:$0x10100] =	vst v63  }
0x63: {  	v3 =	vld [tilespmem:s21+$0x60];
	_ =	sdelay $0x4  }
0x64: {  	v62 =	vshll.u32 v3, $0x1  }
0x65: {  	v3 =	vand.u32 $0x7, v3;
	v4 =	vand.u32 $0xFFFFFFF0, v62  }
0x66: {  	v3 =	vor.u32 v3, v4  }
0x67: {  	v4 =	vperm.xlane v3, v0;
	_ =	sdelay $0x1  }
0x68: {  	v3 =	vperm.xlane v3, v2;
	v4 =	vadd.s32 v1, v4;
	_ =	sdelay $0x1  }
0x69: {  	v3 =	vadd.s32 v1, v3;
	_ =	sdelay $0x1  }
0x6a: {  	s29 =	sor.u32 $0x6100, s20  }
0x6b: {  	[tilespmem:s29], [sflag:$0x5] =	stream.indirect_vreg.gather [hbm4b:s4+s3], $0x80, v4, vm0, $0x2000b8;
	[tilespmem:$0x10100] =	vst v63  }
0x6c: {  	s30 =	sor.u32 $0x6900, s20  }
0x6d: {  	[tilespmem:s30], [sflag:$0x5] =	stream.indirect_vreg.gather [hbm4b:s4+s3], $0x80, v3, vm0, $0x2000b8;
	[tilespmem:$0x10100] =	vst v63  }
0x6e: {  	v3 =	vld [tilespmem:s21+$0x70];
	_ =	sdelay $0x4  }
0x6f: {  	v63 =	vshll.u32 v3, $0x1  }
0x70: {  	v3 =	vand.u32 $0x7, v3;
	v4 =	vand.u32 $0xFFFFFFF0, v63  }
0x71: {  	v3 =	vor.u32 v3, v4  }
0x72: {  	v4 =	vperm.xlane v3, v0;
	_ =	sdelay $0x1  }
0x73: {  	v3 =	vperm.xlane v3, v2;
	v4 =	vadd.s32 v1, v4;
	_ =	sdelay $0x1  }
0x74: {  	v3 =	vadd.s32 v1, v3;
	_ =	sdelay $0x1  }
0x75: {  	s31 =	sor.u32 $0x7100, s20  }
0x76: {  	[tilespmem:s31], [sflag:$0x5] =	stream.indirect_vreg.gather [hbm4b:s4+s3], $0x80, v4, vm0, $0x2000b8;
	[tilespmem:$0x10100] =	vst v63  }
0x77: {  	s20 =	sor.u32 $0x7900, s20  }
0x78: {  	[tilespmem:s20], [sflag:$0x5] =	stream.indirect_vreg.gather [hbm4b:s4+s3], $0x80, v3, vm0, $0x2000b8;
	[tilespmem:$0x10100] =	vst v63  }
0x79: {  	_ =	swait.ge [sflag:s8], $0x8000  }
0x7a: {  	p2 =	seq.s32 s11, $0x1;
	[sflag:s8] =	ssyncset.done $0x0  }
0x7b: {  	s17 =	sadd.s32 s5, s17;
	p1 =	por p2, p1;
	[sflag:s8] =	ssyncadd.s32 $0xFFFF8000  }
0x7c: {  	s17 =	sshll.u32 @p1 s17, $0xC;
	_ =	strace $0x90000055  }
0x7d: {  	s17 =	sand.u32 @p1 $0x1FFFF000, s17;
	s21 =	simm.s32 $0x1;
	_ =	strace @p1 $0x80000056  }
0x7e: {  	s18 =	sadd.s32 @p1 $0x3, s18;
	s21 =	simm.s32 @!p0 $0x0;
	s20 =	rddreg [dreg:$0x3]  }
0x7f: {  	p0 =	seq.s32 s11, $0x12;
	s17 =	sadd.s32 @p1 s20, s17;
	s20 =	simm.s32 @p1 $0x0  }
0x80: {  	[hbm4b:s17+s20] =	stream.linear.scatter @p1 [tilespmem:s19], [sflag:s18], $0x8000, $0x200038;
	[tilespmem:$0x10100] =	vst v63  }
0x81: {  	s17 =	simm.s32 $0x1;
	s19 =	simm.s32 $0x1;
	_ =	strace @p1 $0x90000056  }
0x82: {  	s17 =	simm.s32 @!p1 $0x0;
	p1 =	sne.s32 s11, $0x12;
	s11 =	sadd.s32 $0xFFFFFFFF, s11  }
0x83: {  	s18 =	sand.u32 @!p0 $0x1, s13;
	s19 =	simm.s32 @!p1 $0x0;
	p1 =	sne.s32 s11, $0x0  }
.Ltmp0:
0x84: {  	s18 =	sadd.s32 @!p0 $0x3, s18;
	_ =	strace @!p0 $0x80000057;
	(pc) =	sbr.rel @p1 .LBB2_2-.Ltmp0, $4  }
0x85: {  	_ =	swait.ge @!p0 [sflag:s18], $0x8000  }
0x86: {  	[sflag:s18] =	ssyncset.done @!p0 $0x0  }
0x87: {  	s16 =	sadd.s32 s21, s16;
	s14 =	sadd.s32 s17, s14;
	[sflag:s18] =	ssyncadd.s32 @!p0 $0xFFFF8000  }
0x88: {  	s15 =	sadd.s32 s17, s15;
	s13 =	sadd.s32 s19, s13;
	_ =	strace @!p0 $0x90000057  }
0x89: {  	s10 =	sadd.s32 $0x1, s10  }
0x8a: {  	p0 =	sne.s32 s10, s7  }
.Ltmp1:
0x8b: {  	_ =	strace $0x80000058;
	(pc) =	sbr.rel @p0 .LBB2_1-.Ltmp1, $4  }
0x8c: {  	_ =	swait.ge [sflag:s9], $0x8000  }
0x8d: {  	[sflag:s9] =	ssyncset.done $0x0  }
0x8e: {  	[sflag:s9] =	ssyncadd.s32 $0xFFFF8000  }
0x8f: {  	_ =	strace $0x90000058  }
0x90: {  	_ =	sfence.sel $0x180000  }
0x91: {  	[bflag:$0x0] =	sbarrier.arrive $0xFFFF  }
0x92: {  	p0 =	sne.s32 s2, $0x0;
	_ =	strace $0x90000051  }
0x93: {  	s0 =	sadd.s32 @!p0 $0x100000, s0;
	[bflag:$0x2] =	sbarrier.arrive $0xFFFF  }
0x94: {  	[sflag:s0] =	ssyncadd.tile.s32 @!p0 $0x1;
	_ =	shalt  }
.Lfunc_end2:
_tile_overlayer_lowered:
.L_overlay_start_2:
0x95: {  	(tag) =	ssettag $0x2  }
0x96: {  	s0 =	rddreg [dreg:$0x0];
	s2 =	stileid.u32  }
0x97: {  	s1 =	rddreg [dreg:$0x1];
	p0 =	sne.s32 s2, $0x0  }
0x98: {  	s3 =	rddreg [dreg:$0x2];
	[bflag:$0x3] =	sbarrier.arrive $0xFFFF;
	s2 =	simm.s32 @!p0 $0x1C01  }
0x99: {  	[timem:s3], [sflag:s2] =	dma.local @!p0 [hbm:s0], s1  }
0x9a: {  	s0 =	simm.s32 @!p0 $0x1  }
0x9b: {  	_ =	swait.ge @!p0 [sflag:s0], s1  }
0x9c: {  	s1 =	ssub.s32 @!p0 $0x0, s1;
	[sflag:s0] =	ssyncset.done @!p0 $0x0  }
0x9d: {  	[sflag:s0] =	ssyncadd.s32 @!p0 s1  }
0x9e: {  	[bflag:$0x3] =	sbarrier.arrive $0xFFFF  }
0x9f: {  	_ =	shalt  }

// kernel: kernel.9.cloned.1.call-start
scs
__scs_entry_jumppad:
0x0: {  	(pc) =	sbr.rel $0x88, $3  }
0x1: {  	(tag) =	ssettag $0x0;
	lr =	simm.s32 $0x1  }
0x2: {  	[smem:$0x3F8C] =	sst lr;
	_ =	strace $0xD0000000  }
0x3: {  	_ = 	snop  }
0x4: {  	_ = 	snop  }
0x5: {  	_ = 	snop  }
0x6: {  	_ = 	snop  }
0x7: {  	_ = 	snop  }
__scs_overlays_trampoline_lowered:
0x8: {  	[smem:$0x3F9B] =	sst s0  }
0x9: {  	[smem:$0x3F9C] =	sst s1  }
0xa: {  	[smem:$0x3F9D] =	sst s2  }
0xb: {  	[smem:$0x3F9E] =	sst s3  }
0xc: {  	[smem:$0x3F9F] =	sst s4  }
0xd: {  	[smem:$0x3FA0] =	sst s5  }
0xe: {  	[smem:$0x3FA1] =	sst s6  }
0xf: {  	[smem:$0x3FA2] =	sst s7  }
0x10: {  	[smem:$0x3FA3] =	sst s8  }
0x11: {  	[smem:$0x3FA4] =	sst s9;
	s0 =	simm.s32 @!p0 $0x0  }
0x12: {  	s1 =	sld [smem:$0x3F8A];
	s0 =	simm.s32 @p0 $0x1  }
0x13: {  	[smem:$0x3FA5] =	sst s0;
	s0 =	simm.s32 @!p1 $0x0  }
0x14: {  	s2 =	sld [smem:$0x3F89];
	s0 =	simm.s32 @p1 $0x1  }
0x15: {  	[smem:$0x3FA6] =	sst s0;
	s0 =	simm.s32 @!p2 $0x0  }
0x16: {  	s3 =	sld [smem:$0x3FDB];
	s0 =	simm.s32 @p2 $0x1  }
0x17: {  	s4 =	simm.s32 $0x1BF5;
	[smem:$0x3FA8] =	sst s0  }
0x18: {  	s0 =	sld [smem:$0x3F8B];
	_ =	swait.ge [sflag:s4], $0x0  }
0x19: {  	s7 =	sld [smem:$0x3F8C]  }
0x1a: {  	s8 =	sadd.s32 $0xFFFFE003, lr  }
0x1b: {  	s9 =	sadd.s32 $0xFFFFFEF7, lr;
	s5 =	simm.s32 $0xFFFFFFFF;
	p2 =	slt.u32 s8, $0xFFFFF086  }
0x1c: {  	p1 =	slt.u32 s9, $0xF7A;
	s5 =	simm.s32 @!p2 $0x0  }
0x1d: {  	s5 =	simm.s32 @p1 $0x1;
	p0 =	seq.s32 s7, s2  }
0x1e: {  	s7 =	smul.u32 @!p0 $0xF7A, s2;
	p2 =	seq.s32 @!p0 s5, $0x0  }
0x1f: {  	s9 =	smul.u32 $0xF7A, s1;
	s8 =	simm.s32 @!p0 $0x1BF5;
	p2 =	por !p2, p0  }
0x20: {  	[sflag:s8] =	ssyncset.s32 @!p0 $0xFFFFF086;
	s6 =	sadd.s32 @!p0 s3, s7;
	s7 =	simm.s32 @!p0 $0x108  }
0x21: {  	s3 =	sadd.s32 s3, s9;
	s6 =	sadd.s32 @!p0 $0x88, s6;
	s7 =	simm.s32 @p2 $0x1082  }
0x22: {  	[simem:s7], [sflag:s8] =	dma.local @!p0 [hbm:s6], $0xF7A  }
0x23: {  	s9 =	sor.u32 $0xD0000000, s2;
	s6 =	simm.s32 $0x108;
	_ =	swait.ge @!p0 [sflag:s8], $0x0  }
0x24: {  	s3 =	sadd.s32 $0x88, s3;
	s6 =	simm.s32 @!p1 $0x1082;
	[sflag:s4] =	ssyncset.s32 $0xFFFFF086  }
0x25: {  	[simem:s6], [sflag:s4] =	dma.local [hbm:s3], $0xF7A  }
0x26: {  	[smem:$0x3F8C] =	sst s1;
	(tag) =	ssettag s2;
	_ =	strace s9  }
0x27: {  	s1 =	sld [smem:$0x3F9C]  }
0x28: {  	s2 =	sld [smem:$0x3F9D]  }
0x29: {  	s4 =	sld [smem:$0x3F9F]  }
0x2a: {  	p0 =	seq.s32 s5, $0x0;
	s5 =	sld [smem:$0x3FA0]  }
0x2b: {  	s6 =	sld [smem:$0x3FA1]  }
0x2c: {  	s7 =	sld [smem:$0x3FA2]  }
0x2d: {  	s3 =	simm.s32 $0x108;
	s8 =	sld [smem:$0x3FA3]  }
0x2e: {  	s3 =	simm.s32 @!p0 $0x1082;
	s9 =	sld [smem:$0x3FA4]  }
0x2f: {  	lr =	sadd.s32 s0, s3;
	s0 =	sld [smem:$0x3F9B]  }
0x30: {  	s3 =	sld [smem:$0x3F9E]  }
0x31: {  	[smem:$0x3FA7] =	sst s10  }
0x32: {  	s10 =	sld [smem:$0x3FA5];
	_ =	sdelay $0x3  }
0x33: {  	p0 =	seq.s32 s10, $0x1;
	s10 =	sld [smem:$0x3FA7];
	_ =	sdelay $0x3  }
0x34: {  	[smem:$0x3FA7] =	sst s10  }
0x35: {  	s10 =	sld [smem:$0x3FA6];
	_ =	sdelay $0x3  }
0x36: {  	p1 =	seq.s32 s10, $0x1;
	s10 =	sld [smem:$0x3FA7];
	_ =	sdelay $0x3  }
0x37: {  	[smem:$0x3FA7] =	sst s10  }
0x38: {  	s10 =	sld [smem:$0x3FA8]  }
0x39: {  	_ = 	snop;
	(pc) =	sbr.ind lr, $3  }
0x3a: {  	_ = 	snop  }
0x3b: {  	_ = 	snop  }
0x3c: {  	p2 =	seq.s32 s10, $0x1;
	s10 =	sld [smem:$0x3FA7]  }
0x3d: {  	_ =	shalt  }
0x3e: {  	_ =	shalt  }
0x3f: {  	_ =	shalt  }
0x40: {  	_ =	shalt  }
0x41: {  	_ =	shalt  }
0x42: {  	_ =	shalt  }
0x43: {  	_ =	shalt  }
0x44: {  	_ =	shalt  }
0x45: {  	_ =	shalt  }
0x46: {  	_ =	shalt  }
0x47: {  	_ =	shalt  }
0x48: {  	_ =	shalt  }
0x49: {  	_ =	shalt  }
0x4a: {  	_ =	shalt  }
0x4b: {  	_ =	shalt  }
0x4c: {  	_ =	shalt  }
0x4d: {  	_ =	shalt  }
0x4e: {  	_ =	shalt  }
0x4f: {  	_ =	shalt  }
0x50: {  	_ =	shalt  }
0x51: {  	_ =	shalt  }
0x52: {  	_ =	shalt  }
0x53: {  	_ =	shalt  }
0x54: {  	_ =	shalt  }
0x55: {  	_ =	shalt  }
0x56: {  	_ =	shalt  }
0x57: {  	_ =	shalt  }
0x58: {  	_ =	shalt  }
0x59: {  	_ =	shalt  }
0x5a: {  	_ =	shalt  }
0x5b: {  	_ =	shalt  }
0x5c: {  	_ =	shalt  }
0x5d: {  	_ =	shalt  }
0x5e: {  	_ =	shalt  }
0x5f: {  	_ =	shalt  }
0x60: {  	_ =	shalt  }
0x61: {  	_ =	shalt  }
0x62: {  	_ =	shalt  }
0x63: {  	_ =	shalt  }
0x64: {  	_ =	shalt  }
0x65: {  	_ =	shalt  }
0x66: {  	_ =	shalt  }
0x67: {  	_ =	shalt  }
0x68: {  	_ =	shalt  }
0x69: {  	_ =	shalt  }
0x6a: {  	_ =	shalt  }
0x6b: {  	_ =	shalt  }
0x6c: {  	_ =	shalt  }
0x6d: {  	_ =	shalt  }
0x6e: {  	_ =	shalt  }
0x6f: {  	_ =	shalt  }
0x70: {  	_ =	shalt  }
0x71: {  	_ =	shalt  }
0x72: {  	_ =	shalt  }
0x73: {  	_ =	shalt  }
0x74: {  	_ =	shalt  }
0x75: {  	_ =	shalt  }
0x76: {  	_ =	shalt  }
0x77: {  	_ =	shalt  }
0x78: {  	_ =	shalt  }
0x79: {  	_ =	shalt  }
0x7a: {  	_ =	shalt  }
0x7b: {  	_ =	shalt  }
0x7c: {  	_ =	shalt  }
0x7d: {  	_ =	shalt  }
0x7e: {  	_ =	shalt  }
0x7f: {  	_ =	shalt  }
0x80: {  	_ =	shalt  }
0x81: {  	_ =	shalt  }
0x82: {  	_ =	shalt  }
0x83: {  	_ =	shalt  }
0x84: {  	_ =	shalt  }
0x85: {  	_ =	shalt  }
0x86: {  	_ =	shalt  }
0x87: {  	_ =	shalt  }
.Lfunc_end0:
.L_simem_size_0:
called_computation.1_lowered:
.L_overlay_start_0:
0x88: {  	s2 =	sld [smem:$0x3FD9]  }
0x89: {  	s3 =	sld [smem:$0x3FFE];
	_ =	sdelay $0x1  }
0x8a: {  	s1 =	srdreg.scid  }
0x8b: {  	s0 =	sand.u32 $0x1, s1  }
0x8c: {  	s16 =	sshll.u32 s0, $0xA;
	s2 =	sadd.s32 s3, s2  }
0x8d: {  	s2 =	sadd.s32 s2, s16  }
0x8e: {  	[smem:$0x3FB3] =	sst s2  }
0x8f: {  	_ = 	snop  }
0x90: {  	(tm) =	ssettm $0x1  }
0x91: {  	s17 =	sld [smem:$0x3FFB];
	_ =	sdelay $0x3  }
0x92: {  	_ =	strace s17  }
0x93: {  	s2 =	sld [smem:$0x3FFC];
	_ =	sdelay $0x3  }
0x94: {  	_ =	strace s2  }
0x95: {  	s2 =	sld [smem:$0x3FFD];
	_ =	sdelay $0x3  }
0x96: {  	_ =	strace s2  }
0x97: {  	_ =	strace $0x8FFFFFFF  }
0x98: {  	s18 =	sld [smem:$0x3FDB];
	_ =	sdelay $0x1  }
0x99: {  	s19 =	simm.s32 $_scs_section_size  }
0x9a: {  	s4 =	simm.s32 $_size__tile_overlayer_lowered;
	s5 =	simm.s32 $_tile_overlayer_lowered  }
0x9b: {  	s22 =	simm.s32 $0x1BFF;
	s21 =	sshll.u32 s5, $0x1;
	s2 =	sadd.s32 s19, s18  }
0x9c: {  	s6 =	simm.s32 $0x0;
	s20 =	sshll.u32 s4, $0x1;
	s4 =	sadd.s32 s21, s2  }
0x9d: {  	[timem:s6], [sflag:s22] =	dma.local [hbm:s4], s20  }
0x9e: {  	_ =	swait.ge [sflag:s22], s20  }
0x9f: {  	s3 =	ssub.s32 $0x0, s20;
	[sflag:s22] =	ssyncset.done $0x0  }
0xa0: {  	[sflag:s22] =	ssyncadd.s32 s3;
	_ =	sdelay $0x1  }
0xa1: {  	s23 =	simm.s32 $0x1B8B  }
0xa2: {  	_ =	swait.ge [sflag:s23], $0x1  }
0xa3: {  	[sflag:s23] =	ssyncset.done $0x0  }
0xa4: {  	s25 =	simm.s32 $0x1B8E;
	s24 =	sld [smem:$0x3FFE];
	[sflag:s23] =	ssyncadd.s32 $0xFFFFFFFF  }
0xa5: {  	s26 =	simm.s32 $execute0_lowered;
	[smem:$0x3FD2] =	sst s25  }
0xa6: {  	s4 =	sshll.u32 s26, $0x1;
	_ =	strace $0x80000046;
	[dreg:$0x1] =	wrdreg $0xFFFFFFFF  }
0xa7: {  	s28 =	simm.s32 $_size_execute0_lowered;
	s2 =	sadd.s32 s2, s4;
	[dreg:$0x0] =	wrdreg $0x0  }
0xa8: {  	s4 =	sshll.u32 s28, $0x1;
	[dreg:$0x2] =	wrdreg s2  }
0xa9: {  	[dreg:$0x3] =	wrdreg s4  }
0xaa: {  	[dreg:$0x4] =	wrdreg $0xC0  }
0xab: {  	_ =	task [dreg:s6], $0x5FFFF  }
0xac: {  	[dreg:$0x1] =	wrdreg $0xFFFFFFFF  }
0xad: {  	[dreg:$0x0] =	wrdreg $0x60  }
0xae: {  	[dreg:$0x2] =	wrdreg s24  }
0xaf: {  	[dreg:$0x3] =	wrdreg $0xA  }
0xb0: {  	_ =	task.clear_ibuf [dreg:s6], $0x4FFFF;
	_ =	strace $0x90000046  }
0xb1: {  	s29 =	simm.s32 $0xA;
	_ =	strace $0x8000004F  }
0xb2: {  	_ =	swait.ge [sflag:s29], $0x1  }
0xb3: {  	[sflag:s29] =	ssyncadd.s32 $0xFFFFFFFF  }
0xb4: {  	_ =	strace $0x9000004F  }
0xb5: {  	_ =	sfence  }
0xb6: {  	s30 =	sld [smem:$0x0];
	_ =	sdelay $0x2  }
0xb7: {  	s31 =	sshll.u32 s1, $0xD;
	s1 =	sshrl.u32 s1, $0x2  }
0xb8: {  	s3 =	sand.u32 $0x4000, s31;
	s1 =	sadd.s32 s1, s30  }
0xb9: {  	s0 =	sor.u32 s3, s0;
	s1 =	sshll.u32 s1, $0x11  }
0xba: {  	s0 =	sor.u32 s1, s0  }
0xbb: {  	s0 =	sadd.s32 $0x8F2B, s0  }
0xbc: {  	[sflag:s0] =	ssyncadd.remote.s32 $0x1  }
0xbd: {  	_ =	sfence.sel $0xFFFF  }
0xbe: {  	[dreg:$0x0] =	wrdreg $0xFFFFFFFF;
	(pc) =	sbr.abs _section_cstart, $3  }
0xbf: {  	[dreg:$0x1] =	wrdreg $0xFFFFFFFF  }
0xc0: {  	_ =	task.clear_ibuf [dreg:s6], $0x2FFFF;
	_ =	strace $0x9FFFFFFF  }
0xc1: {  	(tm) =	ssettm $0x7FFFFFFF  }
tec
execute0_lowered:
.L_overlay_start_1:
0x0: {  	(tag) =	ssettag $0x1  }
0x1: {  	s4 =	rddreg [dreg:$0x0]  }
0x2: {  	s0 =	rddreg [dreg:$0x1];
	s1 =	simm.s32 $0x0  }
0x3: {  	s2 =	srdreg.scid;
	s10 =	simm.s32 $0x0;
	[smem:$0x7FF] =	sst s1  }
0x4: {  	s5 =	sand.u32 $0x1, s2;
	s2 =	stileid.u32;
	s3 =	sadd.s32 $0xF000, s4  }
0x5: {  	s7 =	sadd.s32 $0x40F000, s4;
	s4 =	sadd.s32 $0xCC00, s4;
	s6 =	sshll.u32 s5, $0x4  }
0x6: {  	_ =	strace $0x80000047;
	s5 =	ssub.s32 $0x2, s5;
	s6 =	sor.u32 s2, s6  }
0x7: {  	v2 =	vlaneseq.u32;
	[dreg:$0x2] =	wrdreg s7;
	s8 =	sshrl.u32 s5, $0x1;
	s9 =	smul.u32 $0x120, s6  }
0x8: {  	vm0 =	vmmov $0xffff;
	v1 =	vshrl.u32 v2, $0x3;
	s31 =	ssub.s32 s5, s8;
	s5 =	smul.u32 $0x12, s6;
	s8 =	simm.s32 $0x5  }
0x9: {  	v0 =	vand.u32 $0x7, v2;
	v2 =	vor.u32 $0x8, v2;
	v1 =	vmul.u32 $0x8, v1;
	s7 =	smax.u32 s31, $0x1;
	s6 =	sadd.s32 s4, s9;
	s9 =	simm.s32 $0x4  }
.LBB2_1:
0xa: {  	_ =	strace $0x80000048;
	s11 =	simm.s32 $0x12  }
0xb: {  	s12 =	simm.s32 $0x0;
	s13 =	simm.s32 $0x0;
	s14 =	simm.s32 $0x0  }
0xc: {  	[tilespmem:s1], [sflag:$0x1] =	stream.linear.gather [hbm4b:s6+s1], $0x80, $0x200038;
	[tilespmem:$0x10100] =	vst v63  }
0xd: {  	s15 =	simm.s32 $0x0;
	s16 =	simm.s32 $0x1;
	_ =	strace $0x90000048  }
.LBB2_2:
0xe: {  	s17 =	smov.u32 s12;
	s12 =	sadd.s32 $0x1, s12  }
0xf: {  	p0 =	seq.s32 s12, $0x12  }
0x10: {  	s12 =	simm.s32 @p0 $0x0  }
0x11: {  	p6 =	sne.s32 s11, $0x1;
	p1 =	sne.s32 s17, s12  }
0x12: {  	p0 =	por !p6, !p1  }
0x13: {  	p0 =	por !p0, !p0  }
0x14: {  	s18 =	sadd.s32 @p0 s5, s12  }
0x15: {  	s19 =	sand.u32 @p0 $0x1, s16;
	s18 =	sshll.u32 @p0 s18, $0x4  }
0x16: {  	_ =	strace @p0 $0x80000049;
	s21 =	simm.s32 @p0 $0x0;
	s18 =	sand.u32 @p0 $0x1FFFFFF0, s18  }
0x17: {  	s20 =	sshll.u32 @p0 s19, $0x7;
	s19 =	sadd.s32 @p0 $0x1, s19;
	s18 =	sadd.s32 @p0 s4, s18  }
0x18: {  	[tilespmem:s20], [sflag:s19] =	stream.linear.gather @p0 [hbm4b:s18+s21], $0x80, $0x200038;
	[tilespmem:$0x10100] =	vst v63  }
0x19: {  	s24 =	sand.u32 $0x1, s15;
	_ =	strace @p0 $0x90000049  }
0x1a: {  	s18 =	sadd.s32 $0x1, s24;
	_ =	strace $0x8000004A  }
0x1b: {  	_ =	swait.ge [sflag:s18], $0x80  }
0x1c: {  	[sflag:s18] =	ssyncset.done $0x0  }
0x1d: {  	[sflag:s18] =	ssyncadd.s32 $0xFFFFFF80  }
0x1e: {  	s25 =	sshll.u32 s15, $0x7;
	_ =	strace $0x9000004A  }
0x1f: {  	s21 =	sand.u32 $0x80, s25;
	_ =	strace $0x8000004B  }
0x20: {  	v3 =	vld [tilespmem:s21+$0x0];
	_ =	sdelay $0x4  }
0x21: {  	v4 =	vshll.u32 v3, $0x1  }
0x22: {  	v3 =	vand.u32 $0x7, v3;
	v4 =	vand.u32 $0xFFFFFFF0, v4  }
0x23: {  	v3 =	vor.u32 v3, v4  }
0x24: {  	v4 =	vperm.xlane v3, v0;
	_ =	sdelay $0x1  }
0x25: {  	v3 =	vperm.xlane v3, v2;
	v4 =	vadd.s32 v1, v4;
	_ =	sdelay $0x1  }
0x26: {  	s18 =	sand.u32 $0x1, s14;
	v3 =	vadd.s32 v1, v3  }
0x27: {  	s20 =	sshll.u32 s18, $0xF  }
0x28: {  	s19 =	sor.u32 $0x100, s20  }
0x29: {  	[tilespmem:s19], [sflag:$0x5] =	stream.indirect_vreg.gather [hbm4b:s3+s1], $0x80, v4, vm0, $0x2000b8;
	[tilespmem:$0x10100] =	vst v63  }
0x2a: {  	s22 =	sor.u32 $0x900, s20  }
0x2b: {  	[tilespmem:s22], [sflag:$0x5] =	stream.indirect_vreg.gather [hbm4b:s3+s1], $0x80, v3, vm0, $0x2000b8;
	[tilespmem:$0x10100] =	vst v63  }
0x2c: {  	v3 =	vld [tilespmem:s21+$0x10];
	_ =	sdelay $0x4  }
0x2d: {  	v57 =	vshll.u32 v3, $0x1  }
0x2e: {  	v3 =	vand.u32 $0x7, v3;
	v4 =	vand.u32 $0xFFFFFFF0, v57  }
0x2f: {  	v3 =	vor.u32 v3, v4  }
0x30: {  	v4 =	vperm.xlane v3, v0;
	_ =	sdelay $0x1  }
0x31: {  	v3 =	vperm.xlane v3, v2;
	v4 =	vadd.s32 v1, v4;
	_ =	sdelay $0x1  }
0x32: {  	v3 =	vadd.s32 v1, v3;
	_ =	sdelay $0x1  }
0x33: {  	s26 =	sor.u32 $0x1100, s20  }
0x34: {  	[tilespmem:s26], [sflag:$0x5] =	stream.indirect_vreg.gather [hbm4b:s3+s1], $0x80, v4, vm0, $0x2000b8;
	[tilespmem:$0x10100] =	vst v63  }
0x35: {  	s28 =	sor.u32 $0x1900, s20  }
0x36: {  	[tilespmem:s28], [sflag:$0x5] =	stream.indirect_vreg.gather [hbm4b:s3+s1], $0x80, v3, vm0, $0x2000b8;
	[tilespmem:$0x10100] =	vst v63  }
0x37: {  	v3 =	vld [tilespmem:s21+$0x20];
	_ =	sdelay $0x4  }
0x38: {  	v58 =	vshll.u32 v3, $0x1  }
0x39: {  	v3 =	vand.u32 $0x7, v3;
	v4 =	vand.u32 $0xFFFFFFF0, v58  }
0x3a: {  	v3 =	vor.u32 v3, v4  }
0x3b: {  	v4 =	vperm.xlane v3, v0;
	_ =	sdelay $0x1  }
0x3c: {  	v3 =	vperm.xlane v3, v2;
	v4 =	vadd.s32 v1, v4;
	_ =	sdelay $0x1  }
0x3d: {  	v3 =	vadd.s32 v1, v3;
	_ =	sdelay $0x1  }
0x3e: {  	s29 =	sor.u32 $0x2100, s20  }
0x3f: {  	[tilespmem:s29], [sflag:$0x5] =	stream.indirect_vreg.gather [hbm4b:s3+s1], $0x80, v4, vm0, $0x2000b8;
	[tilespmem:$0x10100] =	vst v63  }
0x40: {  	s30 =	sor.u32 $0x2900, s20  }
0x41: {  	[tilespmem:s30], [sflag:$0x5] =	stream.indirect_vreg.gather [hbm4b:s3+s1], $0x80, v3, vm0, $0x2000b8;
	[tilespmem:$0x10100] =	vst v63  }
0x42: {  	v3 =	vld [tilespmem:s21+$0x30];
	_ =	sdelay $0x4  }
0x43: {  	v59 =	vshll.u32 v3, $0x1  }
0x44: {  	v3 =	vand.u32 $0x7, v3;
	v4 =	vand.u32 $0xFFFFFFF0, v59  }
0x45: {  	v3 =	vor.u32 v3, v4  }
0x46: {  	v4 =	vperm.xlane v3, v0;
	_ =	sdelay $0x1  }
0x47: {  	v3 =	vperm.xlane v3, v2;
	v4 =	vadd.s32 v1, v4;
	_ =	sdelay $0x1  }
0x48: {  	v3 =	vadd.s32 v1, v3;
	_ =	sdelay $0x1  }
0x49: {  	s31 =	sor.u32 $0x3100, s20  }
0x4a: {  	[tilespmem:s31], [sflag:$0x5] =	stream.indirect_vreg.gather [hbm4b:s3+s1], $0x80, v4, vm0, $0x2000b8;
	[tilespmem:$0x10100] =	vst v63  }
0x4b: {  	s23 =	sor.u32 $0x3900, s20  }
0x4c: {  	[tilespmem:s23], [sflag:$0x5] =	stream.indirect_vreg.gather [hbm4b:s3+s1], $0x80, v3, vm0, $0x2000b8;
	[tilespmem:$0x10100] =	vst v63  }
0x4d: {  	v3 =	vld [tilespmem:s21+$0x40];
	_ =	sdelay $0x4  }
0x4e: {  	v60 =	vshll.u32 v3, $0x1  }
0x4f: {  	v3 =	vand.u32 $0x7, v3;
	v4 =	vand.u32 $0xFFFFFFF0, v60  }
0x50: {  	v3 =	vor.u32 v3, v4  }
0x51: {  	v4 =	vperm.xlane v3, v0;
	_ =	sdelay $0x1  }
0x52: {  	v3 =	vperm.xlane v3, v2;
	v4 =	vadd.s32 v1, v4;
	_ =	sdelay $0x1  }
0x53: {  	v3 =	vadd.s32 v1, v3;
	_ =	sdelay $0x1  }
0x54: {  	s24 =	sor.u32 $0x4100, s20  }
0x55: {  	[tilespmem:s24], [sflag:$0x5] =	stream.indirect_vreg.gather [hbm4b:s3+s1], $0x80, v4, vm0, $0x2000b8;
	[tilespmem:$0x10100] =	vst v63  }
0x56: {  	s25 =	sor.u32 $0x4900, s20  }
0x57: {  	[tilespmem:s25], [sflag:$0x5] =	stream.indirect_vreg.gather [hbm4b:s3+s1], $0x80, v3, vm0, $0x2000b8;
	[tilespmem:$0x10100] =	vst v63  }
0x58: {  	v3 =	vld [tilespmem:s21+$0x50];
	_ =	sdelay $0x4  }
0x59: {  	v61 =	vshll.u32 v3, $0x1  }
0x5a: {  	v3 =	vand.u32 $0x7, v3;
	v4 =	vand.u32 $0xFFFFFFF0, v61  }
0x5b: {  	v3 =	vor.u32 v3, v4  }
0x5c: {  	v4 =	vperm.xlane v3, v0;
	_ =	sdelay $0x1  }
0x5d: {  	v3 =	vperm.xlane v3, v2;
	v4 =	vadd.s32 v1, v4;
	_ =	sdelay $0x1  }
0x5e: {  	v3 =	vadd.s32 v1, v3;
	_ =	sdelay $0x1  }
0x5f: {  	s26 =	sor.u32 $0x5100, s20  }
0x60: {  	[tilespmem:s26], [sflag:$0x5] =	stream.indirect_vreg.gather [hbm4b:s3+s1], $0x80, v4, vm0, $0x2000b8;
	[tilespmem:$0x10100] =	vst v63  }
0x61: {  	s28 =	sor.u32 $0x5900, s20  }
0x62: {  	[tilespmem:s28], [sflag:$0x5] =	stream.indirect_vreg.gather [hbm4b:s3+s1], $0x80, v3, vm0, $0x2000b8;
	[tilespmem:$0x10100] =	vst v63  }
0x63: {  	v3 =	vld [tilespmem:s21+$0x60];
	_ =	sdelay $0x4  }
0x64: {  	v62 =	vshll.u32 v3, $0x1  }
0x65: {  	v3 =	vand.u32 $0x7, v3;
	v4 =	vand.u32 $0xFFFFFFF0, v62  }
0x66: {  	v3 =	vor.u32 v3, v4  }
0x67: {  	v4 =	vperm.xlane v3, v0;
	_ =	sdelay $0x1  }
0x68: {  	v3 =	vperm.xlane v3, v2;
	v4 =	vadd.s32 v1, v4;
	_ =	sdelay $0x1  }
0x69: {  	v3 =	vadd.s32 v1, v3;
	_ =	sdelay $0x1  }
0x6a: {  	s29 =	sor.u32 $0x6100, s20  }
0x6b: {  	[tilespmem:s29], [sflag:$0x5] =	stream.indirect_vreg.gather [hbm4b:s3+s1], $0x80, v4, vm0, $0x2000b8;
	[tilespmem:$0x10100] =	vst v63  }
0x6c: {  	s30 =	sor.u32 $0x6900, s20  }
0x6d: {  	[tilespmem:s30], [sflag:$0x5] =	stream.indirect_vreg.gather [hbm4b:s3+s1], $0x80, v3, vm0, $0x2000b8;
	[tilespmem:$0x10100] =	vst v63  }
0x6e: {  	v3 =	vld [tilespmem:s21+$0x70];
	_ =	sdelay $0x4  }
0x6f: {  	v63 =	vshll.u32 v3, $0x1  }
0x70: {  	v3 =	vand.u32 $0x7, v3;
	v4 =	vand.u32 $0xFFFFFFF0, v63  }
0x71: {  	v3 =	vor.u32 v3, v4  }
0x72: {  	v4 =	vperm.xlane v3, v0;
	_ =	sdelay $0x1  }
0x73: {  	v3 =	vperm.xlane v3, v2;
	v4 =	vadd.s32 v1, v4;
	_ =	sdelay $0x1  }
0x74: {  	v3 =	vadd.s32 v1, v3;
	_ =	sdelay $0x1  }
0x75: {  	s31 =	sor.u32 $0x7100, s20  }
0x76: {  	[tilespmem:s31], [sflag:$0x5] =	stream.indirect_vreg.gather [hbm4b:s3+s1], $0x80, v4, vm0, $0x2000b8;
	[tilespmem:$0x10100] =	vst v63  }
0x77: {  	s20 =	sor.u32 $0x7900, s20  }
0x78: {  	[tilespmem:s20], [sflag:$0x5] =	stream.indirect_vreg.gather [hbm4b:s3+s1], $0x80, v3, vm0, $0x2000b8;
	[tilespmem:$0x10100] =	vst v63  }
0x79: {  	_ =	swait.ge [sflag:s8], $0x8000  }
0x7a: {  	p2 =	seq.s32 s11, $0x1;
	[sflag:s8] =	ssyncset.done $0x0  }
0x7b: {  	s17 =	sadd.s32 s5, s17;
	p1 =	por p2, p1;
	[sflag:s8] =	ssyncadd.s32 $0xFFFF8000  }
0x7c: {  	s17 =	sshll.u32 @p1 s17, $0xC;
	_ =	strace $0x9000004B  }
0x7d: {  	s17 =	sand.u32 @p1 $0x1FFFF000, s17;
	s21 =	simm.s32 $0x1;
	_ =	strace @p1 $0x8000004C  }
0x7e: {  	s18 =	sadd.s32 @p1 $0x3, s18;
	s21 =	simm.s32 @!p0 $0x0;
	s20 =	rddreg [dreg:$0x2]  }
0x7f: {  	p0 =	seq.s32 s11, $0x12;
	s17 =	sadd.s32 @p1 s20, s17;
	s20 =	simm.s32 @p1 $0x0  }
0x80: {  	[hbm4b:s17+s20] =	stream.linear.scatter @p1 [tilespmem:s19], [sflag:s18], $0x8000, $0x200038;
	[tilespmem:$0x10100] =	vst v63  }
0x81: {  	s17 =	simm.s32 $0x1;
	s19 =	simm.s32 $0x1;
	_ =	strace @p1 $0x9000004C  }
0x82: {  	s17 =	simm.s32 @!p1 $0x0;
	p1 =	sne.s32 s11, $0x12;
	s11 =	sadd.s32 $0xFFFFFFFF, s11  }
0x83: {  	s18 =	sand.u32 @!p0 $0x1, s13;
	s19 =	simm.s32 @!p1 $0x0;
	p1 =	sne.s32 s11, $0x0  }
.Ltmp0:
0x84: {  	s18 =	sadd.s32 @!p0 $0x3, s18;
	_ =	strace @!p0 $0x8000004D;
	(pc) =	sbr.rel @p1 .LBB2_2-.Ltmp0, $4  }
0x85: {  	_ =	swait.ge @!p0 [sflag:s18], $0x8000  }
0x86: {  	[sflag:s18] =	ssyncset.done @!p0 $0x0  }
0x87: {  	s16 =	sadd.s32 s21, s16;
	s14 =	sadd.s32 s17, s14;
	[sflag:s18] =	ssyncadd.s32 @!p0 $0xFFFF8000  }
0x88: {  	s15 =	sadd.s32 s17, s15;
	s13 =	sadd.s32 s19, s13;
	_ =	strace @!p0 $0x9000004D  }
0x89: {  	s10 =	sadd.s32 $0x1, s10  }
0x8a: {  	p0 =	sne.s32 s10, s7  }
.Ltmp1:
0x8b: {  	_ =	strace $0x8000004E;
	(pc) =	sbr.rel @p0 .LBB2_1-.Ltmp1, $4  }
0x8c: {  	_ =	swait.ge [sflag:s9], $0x8000  }
0x8d: {  	[sflag:s9] =	ssyncset.done $0x0  }
0x8e: {  	[sflag:s9] =	ssyncadd.s32 $0xFFFF8000  }
0x8f: {  	_ =	strace $0x9000004E  }
0x90: {  	_ =	sfence.sel $0x180000  }
0x91: {  	[bflag:$0x0] =	sbarrier.arrive $0xFFFF  }
0x92: {  	p0 =	sne.s32 s2, $0x0;
	_ =	strace $0x90000047  }
0x93: {  	s0 =	sadd.s32 @!p0 $0x100000, s0;
	[bflag:$0x2] =	sbarrier.arrive $0xFFFF  }
0x94: {  	[sflag:s0] =	ssyncadd.tile.s32 @!p0 $0x1;
	_ =	shalt  }
.Lfunc_end2:
_tile_overlayer_lowered:
.L_overlay_start_2:
0x95: {  	(tag) =	ssettag $0x2  }
0x96: {  	s0 =	rddreg [dreg:$0x0];
	s2 =	stileid.u32  }
0x97: {  	s1 =	rddreg [dreg:$0x1];
	p0 =	sne.s32 s2, $0x0  }
0x98: {  	s3 =	rddreg [dreg:$0x2];
	[bflag:$0x3] =	sbarrier.arrive $0xFFFF;
	s2 =	simm.s32 @!p0 $0x1C01  }
0x99: {  	[timem:s3], [sflag:s2] =	dma.local @!p0 [hbm:s0], s1  }
0x9a: {  	s0 =	simm.s32 @!p0 $0x1  }
0x9b: {  	_ =	swait.ge @!p0 [sflag:s0], s1  }
0x9c: {  	s1 =	ssub.s32 @!p0 $0x0, s1;
	[sflag:s0] =	ssyncset.done @!p0 $0x0  }
0x9d: {  	[sflag:s0] =	ssyncadd.s32 @!p0 s1  }
0x9e: {  	[bflag:$0x3] =	sbarrier.arrive $0xFFFF  }
0x9f: {  	_ =	shalt  }

</sc_bundles>
